<compile_context>
chip_gen: v7x
topology: tpu7x:2x2x1
jax: 0.10.2.dev20260603
libtpu: 0.0.44.dev20260713+nightly
codegen_flags: <defaults>
</compile_context>

<pallas_src>
import functools
import numpy as np
import jax
import jax.numpy as jnp
from jax import lax
from jax.experimental import pallas as pl
from jax.experimental.pallas import tpu as pltpu
from jax.experimental.pallas import tpu_sc as plsc

_B, _L, _H, _D = 2, 2048, 12, 64
_BH = _B * _H
_U = 40
_UP = 48
_NT = 1
_TR = _L // _NT
_NEG = -1.0e30


def _rotl32(x, d):
    return ((x << np.uint32(d)) | (x >> np.uint32(32 - d))).astype(np.uint32)


def _threefry2x32(k1, k2, x0, x1):
    rot = [np.array([13, 15, 26, 6]), np.array([17, 29, 16, 24])]
    ks = [k1, k2, (k1 ^ k2 ^ np.uint32(0x1BD11BDA)).astype(np.uint32)]
    x0 = (x0 + ks[0]).astype(np.uint32)
    x1 = (x1 + ks[1]).astype(np.uint32)
    for i in range(5):
        for r in rot[i % 2]:
            x0 = (x0 + x1).astype(np.uint32)
            x1 = _rotl32(x1, r)
            x1 = (x0 ^ x1).astype(np.uint32)
        x0 = (x0 + ks[(i + 1) % 3]).astype(np.uint32)
        x1 = (x1 + ks[(i + 2) % 3] + np.uint32(i + 1)).astype(np.uint32)
    return x0, x1


def _np_randint_key42(shape, span):
    size = int(np.prod(shape))
    kb1, kb2 = _threefry2x32(np.uint32(0), np.uint32(42),
                             np.zeros(2, np.uint32), np.arange(2, dtype=np.uint32))
    k2a, k2b = kb1[1], kb2[1]
    b1, b2 = _threefry2x32(k2a, k2b, np.zeros(size, np.uint32),
                           np.arange(size, dtype=np.uint32))
    return ((b1 ^ b2) % np.uint32(span)).astype(np.int32).reshape(shape)


def _build_sample_constants():
    idx = _np_randint_key42((_L, _U), _L)
    counts = np.zeros((_L, _L), np.float32)
    np.add.at(counts, (np.arange(_L)[:, None], idx), 1.0)
    counts_t = counts.T.copy()
    maskbias_t = np.where(counts_t > 0, 0.0, _NEG).astype(np.float32)
    return counts_t.astype(jnp.bfloat16), maskbias_t


_ACOUNT_T, _MASKBIAS_T = _build_sample_constants()


def _phase_a(q_ref, k_ref, at_ref, mb_ref, m_ref):
    j = pl.program_id(1)
    q = q_ref[0]
    k = k_ref[0]
    kb = k.astype(jnp.bfloat16)
    qb = q.astype(jnp.bfloat16)
    at = at_ref[...]
    sT = jax.lax.dot_general(kb, qb, (((1,), (1,)), ((), ())),
                             preferred_element_type=jnp.float32)
    mx = jnp.max(sT + mb_ref[...], axis=0)
    ksumT = jax.lax.dot_general(kb, at, (((0,), (0,)), ((), ())),
                                preferred_element_type=jnp.float32)
    ssum = jnp.sum(q.T * ksumT, axis=0)
    m_ref[0, pl.ds(j, 1), :] = (mx - ssum * (1.0 / _L))[None, :]


def _bmax_f32(v, rbuf):
    for sh in (8, 4, 2, 1):
        rbuf[pl.ds(0, 16)] = v
        rbuf[pl.ds(16, 16)] = v
        v = jnp.maximum(v, rbuf[pl.ds(sh, 16)])
    return v


def _bmin_i32(v, ibuf):
    for sh in (8, 4, 2, 1):
        ibuf[pl.ds(0, 16)] = v
        ibuf[pl.ds(16, 16)] = v
        v = jnp.minimum(v, ibuf[pl.ds(sh, 16)])
    return v


def _sc_topk(m_hbm, idx_hbm, mrow, idxrow, rbuf, ibuf):
    wid = lax.axis_index("s") * 2 + lax.axis_index("c")
    lanes = lax.iota(jnp.int32, 16)
    negv = jnp.full((16,), _NEG, jnp.float32)

    @pl.when(wid < _BH)
    def _():
        for i in range(_NT):
            pltpu.sync_copy(m_hbm.at[i, wid], mrow.at[pl.ds(i * _TR, _TR)])

        def t_body(t, carry):
            gmp, lip = carry

            def c_body(c, cc):
                bestv, besti = cc
                v = mrow[pl.ds(c * 16, 16)]
                idxv = lanes + c * 16
                elig = (v < gmp) | ((v == gmp) & (idxv > lip))
                veff = jnp.where(elig, v, negv)
                better = veff > bestv
                return (jnp.where(better, veff, bestv),
                        jnp.where(better, idxv, besti))

            bestv, besti = lax.fori_loop(
                0, _L // 16, c_body, (negv, jnp.zeros((16,), jnp.int32)))
            gm = _bmax_f32(bestv, rbuf)
            cand = jnp.where(bestv == gm, besti,
                             jnp.full((16,), 4096, jnp.int32))
            li = _bmin_i32(cand, ibuf)
            base = (t // 16) * 16
            off = t % 16
            old = idxrow[pl.ds(base, 16)]
            idxrow[pl.ds(base, 16)] = jnp.where(lanes == off, li, old)
            return gm, li

        lax.fori_loop(0, _U, t_body,
                      (jnp.full((16,), 3.0e38, jnp.float32),
                       jnp.full((16,), -1, jnp.int32)))

        pltpu.sync_copy(idxrow, idx_hbm.at[wid])


def _sc_topk_call(m_blk):
    mesh = plsc.VectorSubcoreMesh(core_axis_name="c", subcore_axis_name="s")
    f = functools.partial(
        pl.kernel, mesh=mesh,
        out_type=jax.ShapeDtypeStruct((_BH, 128), jnp.int32),
        scratch_types=[
            pltpu.VMEM((_L,), jnp.float32),
            pltpu.VMEM((128,), jnp.int32),
            pltpu.VMEM((32,), jnp.float32),
            pltpu.VMEM((32,), jnp.int32),
        ],
    )(_sc_topk)
    return f(m_blk)


def _phase_c(idx_ref, q_ref, k_ref, v_ref, o_ref, qr_ref, up_ref):
    j = pl.program_id(0)
    for s2 in range(_U):
        r = idx_ref[j, s2]
        qr_ref[pl.ds(s2, 1), :] = q_ref[0, pl.ds(r, 1), :]
    k = k_ref[0]
    v = v_ref[0]
    sc = jax.lax.dot_general(qr_ref[...].astype(jnp.bfloat16),
                             k.astype(jnp.bfloat16), (((1,), (1,)), ((), ())),
                             preferred_element_type=jnp.float32) * 0.125
    sc = sc - jnp.max(sc, axis=1, keepdims=True)
    e = jnp.exp(sc)
    att = e / jnp.sum(e, axis=1, keepdims=True)
    up_ref[...] = jax.lax.dot_general(att.astype(jnp.bfloat16),
                                      v.astype(jnp.bfloat16),
                                      (((1,), (0,)), ((), ())),
                                      preferred_element_type=jnp.float32)
    vm = jnp.sum(v, axis=0, keepdims=True) * (1.0 / _L)
    o_ref[0] = jnp.broadcast_to(vm, (_L, _D))

    for t in range(_U):
        r = idx_ref[j, t]
        o_ref[0, pl.ds(r, 1), :] = up_ref[pl.ds(t, 1), :]


def kernel(queries, keys, values):
    q3 = queries.reshape(_BH, _L, _D)
    k3 = keys.reshape(_BH, _L, _D)
    v3 = values.reshape(_BH, _L, _D)
    at = jnp.asarray(_ACOUNT_T)
    mb = jnp.asarray(_MASKBIAS_T)

    m_blk = pl.pallas_call(
        _phase_a,
        grid=(_NT, _BH),
        in_specs=[
            pl.BlockSpec((1, _TR, _D), lambda i, j: (j, i, 0)),
            pl.BlockSpec((1, _L, _D), lambda i, j: (j, 0, 0)),
            pl.BlockSpec((_L, _TR), lambda i, j: (0, i)),
            pl.BlockSpec((_L, _TR), lambda i, j: (0, i)),
        ],
        out_specs=pl.BlockSpec((1, _BH, _TR), lambda i, j: (i, 0, 0)),
        out_shape=jax.ShapeDtypeStruct((_NT, _BH, _TR), jnp.float32),
    )(q3, k3, at, mb)

    idx = _sc_topk_call(m_blk)

    ctx = pl.pallas_call(
        _phase_c,
        grid=(_BH,),
        in_specs=[
            pl.BlockSpec(memory_space=pltpu.SMEM),
            pl.BlockSpec((1, _L, _D), lambda j: (j, 0, 0)),
            pl.BlockSpec((1, _L, _D), lambda j: (j, 0, 0)),
            pl.BlockSpec((1, _L, _D), lambda j: (j, 0, 0)),
        ],
        out_specs=pl.BlockSpec((1, _L, _D), lambda j: (j, 0, 0)),
        out_shape=jax.ShapeDtypeStruct((_BH, _L, _D), jnp.float32),
        scratch_shapes=[
            pltpu.VMEM((_U, _D), jnp.float32),
            pltpu.VMEM((_U, _D), jnp.float32),
        ],
    )(idx, q3, k3, v3)

    return ctx.reshape(_B, _H, _L, _D)

# --- scband reference (transcript-rebuilt; emitter-appended) ---
"""Pipeline reference for scband-prob-attention-49082886259025 (READ-ONLY COPY).

The authoritative reference and input builder live on the scoring server;
editing this copy changes nothing except your own understanding.
"""

import jax, jax.numpy as jnp
import numpy as np

def setup_inputs(seed: int = 0) -> dict:
    key = jax.random.key(seed)
    k1, k2, k3 = jax.random.split(key, 3)
    B, L, H, D = 2, 2048, 12, 64
    return {
        "queries": jax.random.normal(k1, (B, L, H, D), dtype=jnp.float32),
        "keys": jax.random.normal(k2, (B, L, H, D), dtype=jnp.float32),
        "values": jax.random.normal(k3, (B, L, H, D), dtype=jnp.float32),
    }

def reference(queries, keys, values):
    factor = 5
    B, L_Q, H, D = queries.shape
    L_K = keys.shape[1]
    # faithful to torch .view (not transpose) in the original forward
    q = queries.reshape(B, H, L_Q, D)
    k = keys.reshape(B, H, L_K, D)
    v = values.reshape(B, H, L_K, D)
    U_part = factor * int(np.ceil(np.log(L_K)))
    u = factor * int(np.ceil(np.log(L_Q)))
    # _prob_QK: random sampling of keys per query (fixed key for determinism)
    idx_key = jax.random.key(42)
    index_sample = jax.random.randint(idx_key, (L_Q, U_part), 0, L_K)
    K_sample = k[:, :, index_sample, :]  # [B,H,L_Q,sample_k,D] gather
    Q_K_sample = jnp.einsum('bhld,bhlsd->bhls', q, K_sample)
    M = jnp.max(Q_K_sample, axis=-1) - jnp.sum(Q_K_sample, axis=-1) / L_K
    M_top = jax.lax.top_k(M, u)[1]  # [B,H,u] sparsity-measure top-k
    Q_reduce = jnp.take_along_axis(q, M_top[..., None], axis=2)  # [B,H,u,D]
    Q_K = jnp.einsum('bhud,bhkd->bhuk', Q_reduce, k)  # [B,H,u,L_K]
    scale = 1.0 / np.sqrt(D)
    scores = Q_K * scale
    # _get_initial_context: mean of V broadcast to all queries
    context = jnp.broadcast_to(jnp.mean(v, axis=2, keepdims=True), (B, H, L_Q, D))
    # _update_context: scatter-overwrite attended rows at top-k query positions
    attn = jax.nn.softmax(scores, axis=-1)
    upd = jnp.einsum('bhuk,bhkd->bhud', attn, v)
    b_idx = jnp.arange(B)[:, None, None]
    h_idx = jnp.arange(H)[None, :, None]
    context = context.at[b_idx, h_idx, M_top].set(upd)
    return context

if __name__ == "__main__":
    import jax
    _d = setup_inputs()
    print(jax.jit(kernel)(*tuple(_d.values())))

</pallas_src>

<mosaic_0001>
#map = affine_map<(d0, d1) -> (0, 0, 0)>
#map1 = affine_map<(d0, d1) -> (0, 0)>
module attributes {stable_mosaic.version = 14 : i64} {
  func.func @_sc_topk(%arg0: i32, %arg1: i32, %arg2: memref<1x24x2048xf32, #tpu.memory_space<hbm>>, %arg3: memref<24x128xi32, #tpu.memory_space<hbm>>, %arg4: memref<2048xf32, #tpu.memory_space<vmem>>, %arg5: memref<128xi32, #tpu.memory_space<vmem>>, %arg6: memref<32xf32, #tpu.memory_space<vmem>>, %arg7: memref<32xi32, #tpu.memory_space<vmem>>) attributes {dimension_semantics = [#tpu.dimension_semantics<core_parallel>, #tpu.dimension_semantics<subcore_parallel>], iteration_bounds = array<i64: 2, 16>, scalar_prefetch = 0 : i64, scratch_operands = 4 : i64, tpu.core_type = #tpu.core_type<sc_vector_subcore>, window_params = [{transform_indices = #map}, {transform_indices = #map1}]} {
    %mul3A = arith.constant 2 : i32
    %mul3A_0 = arith.muli %arg1, %mul3A : i32
    %add3A = arith.addi %mul3A_0, %arg0 : i32
    %iota3A = tpu.iota {dimensions = array<i32: 0>} : vector<16xi32>
    %broadcast_in_dim3A = arith.constant -1.000000e+30 : f32
    %broadcast_in_dim3A_1 = vector.broadcast %broadcast_in_dim3A : f32 to vector<16xf32>
    %lt3A = arith.constant 24 : i32
    %lt3A_2 = arith.cmpi slt, %add3A, %lt3A : i32
    %convert_element_type3A = arith.extui %lt3A_2 : i1 to i32
    %cond3A = arith.constant 0 : i32
    %cond3A_3 = arith.cmpi ne, %convert_element_type3A, %cond3A : i32
    scf.if %cond3A_3 {
      %run_scoped3A = arith.constant 0 : i32
      "tpu.region"() ({
        %run_scoped3A_13 = tpu.sem_alloc : memref<!tpu.dma_semaphore, #tpu.memory_space<semaphore_mem>>
        %dma_start3A = arith.constant 0 : i32
        %dma_start3A_14 = tpu.memref_slice %arg4[%dma_start3A] : memref<2048xf32, #tpu.memory_space<vmem>> -> memref<2048xf32, #tpu.memory_space<vmem>>
        %dma_start3A_15 = arith.constant 0 : i32
        %dma_start3A_16 = tpu.memref_slice %arg2[%run_scoped3A, %add3A, %dma_start3A_15] : memref<1x24x2048xf32, #tpu.memory_space<hbm>> -> memref<1x1x2048xf32, #tpu.memory_space<hbm>>
        %dma_start3A_17 = tpu.memref_squeeze %dma_start3A_16 : memref<1x1x2048xf32, #tpu.memory_space<hbm>> -> memref<2048xf32, #tpu.memory_space<hbm>>
        %dma_start3A_18 = arith.constant 0 : i32
        %dma_start3A_19 = tpu.memref_slice %arg4[%dma_start3A_18] : memref<2048xf32, #tpu.memory_space<vmem>> -> memref<2048xf32, #tpu.memory_space<vmem>>
        %dma_start3A_20 = arith.constant 0 : i32
        %dma_start3A_21 = tpu.memref_slice %arg2[%run_scoped3A, %add3A, %dma_start3A_20] : memref<1x24x2048xf32, #tpu.memory_space<hbm>> -> memref<1x1x2048xf32, #tpu.memory_space<hbm>>
        %dma_start3A_22 = tpu.memref_squeeze %dma_start3A_21 : memref<1x1x2048xf32, #tpu.memory_space<hbm>> -> memref<2048xf32, #tpu.memory_space<hbm>>
        tpu.enqueue_dma source(%dma_start3A_22 : memref<2048xf32, #tpu.memory_space<hbm>>) target(%dma_start3A_19 : memref<2048xf32, #tpu.memory_space<vmem>>) target_semaphore(%run_scoped3A_13 : memref<!tpu.dma_semaphore, #tpu.memory_space<semaphore_mem>>)
        %dma_wait3A = arith.constant 0 : i32
        %dma_wait3A_23 = tpu.memref_slice %arg4[%dma_wait3A] : memref<2048xf32, #tpu.memory_space<vmem>> -> memref<2048xf32, #tpu.memory_space<vmem>>
        %dma_wait3A_24 = arith.constant 0 : i32
        %dma_wait3A_25 = tpu.memref_slice %arg2[%run_scoped3A, %add3A, %dma_wait3A_24] : memref<1x24x2048xf32, #tpu.memory_space<hbm>> -> memref<1x1x2048xf32, #tpu.memory_space<hbm>>
        %dma_wait3A_26 = tpu.memref_squeeze %dma_wait3A_25 : memref<1x1x2048xf32, #tpu.memory_space<hbm>> -> memref<2048xf32, #tpu.memory_space<hbm>>
        %dma_wait3A_27 = arith.constant 0 : i32
        %dma_wait3A_28 = tpu.memref_slice %arg4[%dma_wait3A_27] : memref<2048xf32, #tpu.memory_space<vmem>> -> memref<2048xf32, #tpu.memory_space<vmem>>
        %dma_wait3A_29 = arith.constant 0 : i32
        %dma_wait3A_30 = tpu.memref_slice %arg2[%run_scoped3A, %add3A, %dma_wait3A_29] : memref<1x24x2048xf32, #tpu.memory_space<hbm>> -> memref<1x1x2048xf32, #tpu.memory_space<hbm>>
        %dma_wait3A_31 = tpu.memref_squeeze %dma_wait3A_30 : memref<1x1x2048xf32, #tpu.memory_space<hbm>> -> memref<2048xf32, #tpu.memory_space<hbm>>
        tpu.wait_dma2 semaphore(%run_scoped3A_13 : memref<!tpu.dma_semaphore, #tpu.memory_space<semaphore_mem>>) src(%dma_wait3A_31 : memref<2048xf32, #tpu.memory_space<hbm>>) dst(%dma_wait3A_28 : memref<2048xf32, #tpu.memory_space<vmem>>)
        tpu.yield
      }) : () -> ()
      %broadcast_in_dim3A_4 = arith.constant 3.000000e+38 : f32
      %broadcast_in_dim3A_5 = vector.broadcast %broadcast_in_dim3A_4 : f32 to vector<16xf32>
      %broadcast_in_dim3A_6 = arith.constant -1 : i32
      %broadcast_in_dim3A_7 = vector.broadcast %broadcast_in_dim3A_6 : i32 to vector<16xi32>
      %scan3A = arith.constant 0 : i32
      %scan3A_8 = arith.constant 40 : i32
      %scan3A_9 = arith.addi %scan3A, %scan3A_8 : i32
      %scan3A_10 = arith.constant 1 : i32
      %scan3A_11:2 = scf.for %scan3A_13 = %scan3A to %scan3A_9 step %scan3A_10 iter_args(%scan3A_14 = %broadcast_in_dim3A_5, %scan3A_15 = %broadcast_in_dim3A_7) -> (vector<16xf32>, vector<16xi32>)  : i32 {
        %broadcast_in_dim3A_16 = arith.constant 0 : i32
        %broadcast_in_dim3A_17 = vector.broadcast %broadcast_in_dim3A_16 : i32 to vector<16xi32>
        %scan3A_18 = arith.constant 0 : i32
        %scan3A_19 = arith.constant 128 : i32
        %scan3A_20 = arith.addi %scan3A_18, %scan3A_19 : i32
        %scan3A_21 = arith.constant 1 : i32
        %scan3A_22:2 = scf.for %scan3A_163 = %scan3A_18 to %scan3A_20 step %scan3A_21 iter_args(%scan3A_164 = %broadcast_in_dim3A_1, %scan3A_165 = %broadcast_in_dim3A_17) -> (vector<16xf32>, vector<16xi32>)  : i32 {
          %mul3A_166 = arith.constant 16 : i32
          %mul3A_167 = arith.muli %scan3A_163, %mul3A_166 : i32
          %get3A_168 = arith.index_cast %mul3A_167 : i32 to index
          %get3A_169 = tpu.vector_load %arg4[%get3A_168] {strides = array<i32>} : memref<2048xf32, #tpu.memory_space<vmem>>, vector<16xf32>,
          %get3A_170 = vector.shape_cast %get3A_169 : vector<16xf32> to vector<16xf32>
          %mul3A_171 = arith.constant 16 : i32
          %mul3A_172 = arith.muli %scan3A_163, %mul3A_171 : i32
          %add3A_173 = vector.broadcast %mul3A_172 : i32 to vector<16xi32>
          %add3A_174 = arith.addi %iota3A, %add3A_173 : vector<16xi32>
          %lt3A_175 = arith.cmpf olt, %get3A_170, %scan3A_14 : vector<16xf32>
          %eq3A_176 = arith.cmpf oeq, %get3A_170, %scan3A_14 : vector<16xf32>
          %gt3A = arith.cmpi sgt, %add3A_174, %scan3A_15 : vector<16xi32>
          %and3A_177 = arith.andi %eq3A_176, %gt3A : vector<16xi1>
          %or3A = arith.ori %lt3A_175, %and3A_177 : vector<16xi1>
          %select_n3A_178 = arith.select %or3A, %get3A_170, %broadcast_in_dim3A_1 : vector<16xi1>, vector<16xf32>
          %gt3A_179 = arith.cmpf ogt, %select_n3A_178, %scan3A_164 : vector<16xf32>
          %select_n3A_180 = arith.select %gt3A_179, %select_n3A_178, %scan3A_164 : vector<16xi1>, vector<16xf32>
          %select_n3A_181 = arith.select %gt3A_179, %add3A_174, %scan3A_165 : vector<16xi1>, vector<16xi32>
          scf.yield %select_n3A_180, %select_n3A_181 : vector<16xf32>, vector<16xi32>
        }
        %scan3A_23 = arith.constant 128 : i32
        %swap3A = arith.constant 0 : index
        %swap3A_24 = tpu.vector_load %arg6[%swap3A] {strides = array<i32>} : memref<32xf32, #tpu.memory_space<vmem>>, vector<16xf32>,
        %swap3A_25 = vector.shape_cast %swap3A_24 : vector<16xf32> to vector<16xf32>
        %swap3A_26 = vector.shape_cast %scan3A_22#0 : vector<16xf32> to vector<16xf32>
        tpu.vector_store %arg6[%swap3A], %swap3A_26 {strides = array<i32>} : memref<32xf32, #tpu.memory_space<vmem>>, vector<16xf32>,
        %swap3A_27 = arith.constant 16 : index
        %swap3A_28 = tpu.vector_load %arg6[%swap3A_27] {strides = array<i32>} : memref<32xf32, #tpu.memory_space<vmem>>, vector<16xf32>,
        %swap3A_29 = vector.shape_cast %swap3A_28 : vector<16xf32> to vector<16xf32>
        %swap3A_30 = vector.shape_cast %scan3A_22#0 : vector<16xf32> to vector<16xf32>
        tpu.vector_store %arg6[%swap3A_27], %swap3A_30 {strides = array<i32>} : memref<32xf32, #tpu.memory_space<vmem>>, vector<16xf32>,
        %get3A = arith.constant 8 : index
        %get3A_31 = tpu.vector_load %arg6[%get3A] {strides = array<i32>} : memref<32xf32, #tpu.memory_space<vmem>>, vector<16xf32>,
        %get3A_32 = vector.shape_cast %get3A_31 : vector<16xf32> to vector<16xf32>
        %max3A = arith.maximumf %scan3A_22#0, %get3A_32 : vector<16xf32>
        %swap3A_33 = arith.constant 0 : index
        %swap3A_34 = tpu.vector_load %arg6[%swap3A_33] {strides = array<i32>} : memref<32xf32, #tpu.memory_space<vmem>>, vector<16xf32>,
        %swap3A_35 = vector.shape_cast %swap3A_34 : vector<16xf32> to vector<16xf32>
        %swap3A_36 = vector.shape_cast %max3A : vector<16xf32> to vector<16xf32>
        tpu.vector_store %arg6[%swap3A_33], %swap3A_36 {strides = array<i32>} : memref<32xf32, #tpu.memory_space<vmem>>, vector<16xf32>,
        %swap3A_37 = arith.constant 16 : index
        %swap3A_38 = tpu.vector_load %arg6[%swap3A_37] {strides = array<i32>} : memref<32xf32, #tpu.memory_space<vmem>>, vector<16xf32>,
        %swap3A_39 = vector.shape_cast %swap3A_38 : vector<16xf32> to vector<16xf32>
        %swap3A_40 = vector.shape_cast %max3A : vector<16xf32> to vector<16xf32>
        tpu.vector_store %arg6[%swap3A_37], %swap3A_40 {strides = array<i32>} : memref<32xf32, #tpu.memory_space<vmem>>, vector<16xf32>,
        %get3A_41 = arith.constant 4 : index
        %get3A_42 = tpu.vector_load %arg6[%get3A_41] {strides = array<i32>} : memref<32xf32, #tpu.memory_space<vmem>>, vector<16xf32>,
        %get3A_43 = vector.shape_cast %get3A_42 : vector<16xf32> to vector<16xf32>
        %max3A_44 = arith.maximumf %max3A, %get3A_43 : vector<16xf32>
        %swap3A_45 = arith.constant 0 : index
        %swap3A_46 = tpu.vector_load %arg6[%swap3A_45] {strides = array<i32>} : memref<32xf32, #tpu.memory_space<vmem>>, vector<16xf32>,
        %swap3A_47 = vector.shape_cast %swap3A_46 : vector<16xf32> to vector<16xf32>
        %swap3A_48 = vector.shape_cast %max3A_44 : vector<16xf32> to vector<16xf32>
        tpu.vector_store %arg6[%swap3A_45], %swap3A_48 {strides = array<i32>} : memref<32xf32, #tpu.memory_space<vmem>>, vector<16xf32>,
        %swap3A_49 = arith.constant 16 : index
        %swap3A_50 = tpu.vector_load %arg6[%swap3A_49] {strides = array<i32>} : memref<32xf32, #tpu.memory_space<vmem>>, vector<16xf32>,
        %swap3A_51 = vector.shape_cast %swap3A_50 : vector<16xf32> to vector<16xf32>
        %swap3A_52 = vector.shape_cast %max3A_44 : vector<16xf32> to vector<16xf32>
        tpu.vector_store %arg6[%swap3A_49], %swap3A_52 {strides = array<i32>} : memref<32xf32, #tpu.memory_space<vmem>>, vector<16xf32>,
        %get3A_53 = arith.constant 2 : index
        %get3A_54 = tpu.vector_load %arg6[%get3A_53] {strides = array<i32>} : memref<32xf32, #tpu.memory_space<vmem>>, vector<16xf32>,
        %get3A_55 = vector.shape_cast %get3A_54 : vector<16xf32> to vector<16xf32>
        %max3A_56 = arith.maximumf %max3A_44, %get3A_55 : vector<16xf32>
        %swap3A_57 = arith.constant 0 : index
        %swap3A_58 = tpu.vector_load %arg6[%swap3A_57] {strides = array<i32>} : memref<32xf32, #tpu.memory_space<vmem>>, vector<16xf32>,
        %swap3A_59 = vector.shape_cast %swap3A_58 : vector<16xf32> to vector<16xf32>
        %swap3A_60 = vector.shape_cast %max3A_56 : vector<16xf32> to vector<16xf32>
        tpu.vector_store %arg6[%swap3A_57], %swap3A_60 {strides = array<i32>} : memref<32xf32, #tpu.memory_space<vmem>>, vector<16xf32>,
        %swap3A_61 = arith.constant 16 : index
        %swap3A_62 = tpu.vector_load %arg6[%swap3A_61] {strides = array<i32>} : memref<32xf32, #tpu.memory_space<vmem>>, vector<16xf32>,
        %swap3A_63 = vector.shape_cast %swap3A_62 : vector<16xf32> to vector<16xf32>
        %swap3A_64 = vector.shape_cast %max3A_56 : vector<16xf32> to vector<16xf32>
        tpu.vector_store %arg6[%swap3A_61], %swap3A_64 {strides = array<i32>} : memref<32xf32, #tpu.memory_space<vmem>>, vector<16xf32>,
        %get3A_65 = arith.constant 1 : index
        %get3A_66 = tpu.vector_load %arg6[%get3A_65] {strides = array<i32>} : memref<32xf32, #tpu.memory_space<vmem>>, vector<16xf32>,
        %get3A_67 = vector.shape_cast %get3A_66 : vector<16xf32> to vector<16xf32>
        %max3A_68 = arith.maximumf %max3A_56, %get3A_67 : vector<16xf32>
        %eq3A = arith.cmpf oeq, %scan3A_22#0, %max3A_68 : vector<16xf32>
        %broadcast_in_dim3A_69 = arith.constant 4096 : i32
        %broadcast_in_dim3A_70 = vector.broadcast %broadcast_in_dim3A_69 : i32 to vector<16xi32>
        %select_n3A = arith.select %eq3A, %scan3A_22#1, %broadcast_in_dim3A_70 : vector<16xi1>, vector<16xi32>
        %swap3A_71 = arith.constant 0 : index
        %swap3A_72 = tpu.vector_load %arg7[%swap3A_71] {strides = array<i32>} : memref<32xi32, #tpu.memory_space<vmem>>, vector<16xi32>,
        %swap3A_73 = vector.shape_cast %swap3A_72 : vector<16xi32> to vector<16xi32>
        %swap3A_74 = vector.shape_cast %select_n3A : vector<16xi32> to vector<16xi32>
        tpu.vector_store %arg7[%swap3A_71], %swap3A_74 {strides = array<i32>} : memref<32xi32, #tpu.memory_space<vmem>>, vector<16xi32>,
        %swap3A_75 = arith.constant 16 : index
        %swap3A_76 = tpu.vector_load %arg7[%swap3A_75] {strides = array<i32>} : memref<32xi32, #tpu.memory_space<vmem>>, vector<16xi32>,
        %swap3A_77 = vector.shape_cast %swap3A_76 : vector<16xi32> to vector<16xi32>
        %swap3A_78 = vector.shape_cast %select_n3A : vector<16xi32> to vector<16xi32>
        tpu.vector_store %arg7[%swap3A_75], %swap3A_78 {strides = array<i32>} : memref<32xi32, #tpu.memory_space<vmem>>, vector<16xi32>,
        %get3A_79 = arith.constant 8 : index
        %get3A_80 = tpu.vector_load %arg7[%get3A_79] {strides = array<i32>} : memref<32xi32, #tpu.memory_space<vmem>>, vector<16xi32>,
        %get3A_81 = vector.shape_cast %get3A_80 : vector<16xi32> to vector<16xi32>
        %min3A = arith.minsi %select_n3A, %get3A_81 : vector<16xi32>
        %swap3A_82 = arith.constant 0 : index
        %swap3A_83 = tpu.vector_load %arg7[%swap3A_82] {strides = array<i32>} : memref<32xi32, #tpu.memory_space<vmem>>, vector<16xi32>,
        %swap3A_84 = vector.shape_cast %swap3A_83 : vector<16xi32> to vector<16xi32>
        %swap3A_85 = vector.shape_cast %min3A : vector<16xi32> to vector<16xi32>
        tpu.vector_store %arg7[%swap3A_82], %swap3A_85 {strides = array<i32>} : memref<32xi32, #tpu.memory_space<vmem>>, vector<16xi32>,
        %swap3A_86 = arith.constant 16 : index
        %swap3A_87 = tpu.vector_load %arg7[%swap3A_86] {strides = array<i32>} : memref<32xi32, #tpu.memory_space<vmem>>, vector<16xi32>,
        %swap3A_88 = vector.shape_cast %swap3A_87 : vector<16xi32> to vector<16xi32>
        %swap3A_89 = vector.shape_cast %min3A : vector<16xi32> to vector<16xi32>
        tpu.vector_store %arg7[%swap3A_86], %swap3A_89 {strides = array<i32>} : memref<32xi32, #tpu.memory_space<vmem>>, vector<16xi32>,
        %get3A_90 = arith.constant 4 : index
        %get3A_91 = tpu.vector_load %arg7[%get3A_90] {strides = array<i32>} : memref<32xi32, #tpu.memory_space<vmem>>, vector<16xi32>,
        %get3A_92 = vector.shape_cast %get3A_91 : vector<16xi32> to vector<16xi32>
        %min3A_93 = arith.minsi %min3A, %get3A_92 : vector<16xi32>
        %swap3A_94 = arith.constant 0 : index
        %swap3A_95 = tpu.vector_load %arg7[%swap3A_94] {strides = array<i32>} : memref<32xi32, #tpu.memory_space<vmem>>, vector<16xi32>,
        %swap3A_96 = vector.shape_cast %swap3A_95 : vector<16xi32> to vector<16xi32>
        %swap3A_97 = vector.shape_cast %min3A_93 : vector<16xi32> to vector<16xi32>
        tpu.vector_store %arg7[%swap3A_94], %swap3A_97 {strides = array<i32>} : memref<32xi32, #tpu.memory_space<vmem>>, vector<16xi32>,
        %swap3A_98 = arith.constant 16 : index
        %swap3A_99 = tpu.vector_load %arg7[%swap3A_98] {strides = array<i32>} : memref<32xi32, #tpu.memory_space<vmem>>, vector<16xi32>,
        %swap3A_100 = vector.shape_cast %swap3A_99 : vector<16xi32> to vector<16xi32>
        %swap3A_101 = vector.shape_cast %min3A_93 : vector<16xi32> to vector<16xi32>
        tpu.vector_store %arg7[%swap3A_98], %swap3A_101 {strides = array<i32>} : memref<32xi32, #tpu.memory_space<vmem>>, vector<16xi32>,
        %get3A_102 = arith.constant 2 : index
        %get3A_103 = tpu.vector_load %arg7[%get3A_102] {strides = array<i32>} : memref<32xi32, #tpu.memory_space<vmem>>, vector<16xi32>,
        %get3A_104 = vector.shape_cast %get3A_103 : vector<16xi32> to vector<16xi32>
        %min3A_105 = arith.minsi %min3A_93, %get3A_104 : vector<16xi32>
        %swap3A_106 = arith.constant 0 : index
        %swap3A_107 = tpu.vector_load %arg7[%swap3A_106] {strides = array<i32>} : memref<32xi32, #tpu.memory_space<vmem>>, vector<16xi32>,
        %swap3A_108 = vector.shape_cast %swap3A_107 : vector<16xi32> to vector<16xi32>
        %swap3A_109 = vector.shape_cast %min3A_105 : vector<16xi32> to vector<16xi32>
        tpu.vector_store %arg7[%swap3A_106], %swap3A_109 {strides = array<i32>} : memref<32xi32, #tpu.memory_space<vmem>>, vector<16xi32>,
        %swap3A_110 = arith.constant 16 : index
        %swap3A_111 = tpu.vector_load %arg7[%swap3A_110] {strides = array<i32>} : memref<32xi32, #tpu.memory_space<vmem>>, vector<16xi32>,
        %swap3A_112 = vector.shape_cast %swap3A_111 : vector<16xi32> to vector<16xi32>
        %swap3A_113 = vector.shape_cast %min3A_105 : vector<16xi32> to vector<16xi32>
        tpu.vector_store %arg7[%swap3A_110], %swap3A_113 {strides = array<i32>} : memref<32xi32, #tpu.memory_space<vmem>>, vector<16xi32>,
        %get3A_114 = arith.constant 1 : index
        %get3A_115 = tpu.vector_load %arg7[%get3A_114] {strides = array<i32>} : memref<32xi32, #tpu.memory_space<vmem>>, vector<16xi32>,
        %get3A_116 = vector.shape_cast %get3A_115 : vector<16xi32> to vector<16xi32>
        %min3A_117 = arith.minsi %min3A_105, %get3A_116 : vector<16xi32>
        %jit3A = arith.constant 16 : i32
        %div3A = arith.divsi %scan3A_13, %jit3A : i32
        %sign3A = arith.constant 0 : i32
        %sign3A_118 = arith.cmpi sgt, %scan3A_13, %sign3A : i32
        %sign3A_119 = arith.extui %sign3A_118 : i1 to i32
        %sign3A_120 = arith.constant 0 : i32
        %sign3A_121 = arith.cmpi slt, %scan3A_13, %sign3A_120 : i32
        %sign3A_122 = arith.extui %sign3A_121 : i1 to i32
        %sign3A_123 = arith.subi %sign3A_119, %sign3A_122 : i32
        %sign3A_124 = arith.constant 0 : i32
        %sign3A_125 = arith.cmpi sgt, %jit3A, %sign3A_124 : i32
        %sign3A_126 = arith.extui %sign3A_125 : i1 to i32
        %sign3A_127 = arith.constant 0 : i32
        %sign3A_128 = arith.cmpi slt, %jit3A, %sign3A_127 : i32
        %sign3A_129 = arith.extui %sign3A_128 : i1 to i32
        %sign3A_130 = arith.subi %sign3A_126, %sign3A_129 : i32
        %ne3A = arith.cmpi ne, %sign3A_123, %sign3A_130 : i32
        %rem3A = arith.remsi %scan3A_13, %jit3A : i32
        %ne3A_131 = arith.constant 0 : i32
        %ne3A_132 = arith.cmpi ne, %rem3A, %ne3A_131 : i32
        %and3A = arith.andi %ne3A, %ne3A_132 : i1
        %sub3A = arith.constant 1 : i32
        %sub3A_133 = arith.subi %div3A, %sub3A : i32
        %select_n3A_134 = arith.select %and3A, %sub3A_133, %div3A : i32
        %mul3A_135 = arith.constant 16 : i32
        %mul3A_136 = arith.muli %select_n3A_134, %mul3A_135 : i32
        %jit3A_137 = arith.constant 16 : i32
        %eq3A_138 = arith.constant 0 : i32
        %eq3A_139 = arith.cmpi eq, %jit3A_137, %eq3A_138 : i32
        %jit3A_140 = arith.constant 1 : i32
        %select_n3A_141 = arith.select %eq3A_139, %jit3A_140, %jit3A_137 : i32
        %rem3A_142 = arith.remsi %scan3A_13, %select_n3A_141 : i32
        %ne3A_143 = arith.constant 0 : i32
        %ne3A_144 = arith.cmpi ne, %rem3A_142, %ne3A_143 : i32
        %lt3A_145 = arith.constant 0 : i32
        %lt3A_146 = arith.cmpi slt, %rem3A_142, %lt3A_145 : i32
        %lt3A_147 = arith.constant 0 : i32
        %lt3A_148 = arith.cmpi slt, %select_n3A_141, %lt3A_147 : i32
        %ne3A_149 = arith.xori %lt3A_146, %lt3A_148 : i1
        %and3A_150 = arith.andi %ne3A_149, %ne3A_144 : i1
        %add3A_151 = arith.addi %rem3A_142, %select_n3A_141 : i32
        %select_n3A_152 = arith.select %and3A_150, %add3A_151, %rem3A_142 : i32
        %get3A_153 = arith.index_cast %mul3A_136 : i32 to index
        %get3A_154 = tpu.vector_load %arg5[%get3A_153] {strides = array<i32>} : memref<128xi32, #tpu.memory_space<vmem>>, vector<16xi32>,
        %get3A_155 = vector.shape_cast %get3A_154 : vector<16xi32> to vector<16xi32>
        %eq3A_156 = vector.broadcast %select_n3A_152 : i32 to vector<16xi32>
        %eq3A_157 = arith.cmpi eq, %iota3A, %eq3A_156 : vector<16xi32>
        %select_n3A_158 = arith.select %eq3A_157, %min3A_117, %get3A_155 : vector<16xi1>, vector<16xi32>
        %swap3A_159 = arith.index_cast %mul3A_136 : i32 to index
        %swap3A_160 = tpu.vector_load %arg5[%swap3A_159] {strides = array<i32>} : memref<128xi32, #tpu.memory_space<vmem>>, vector<16xi32>,
        %swap3A_161 = vector.shape_cast %swap3A_160 : vector<16xi32> to vector<16xi32>
        %swap3A_162 = vector.shape_cast %select_n3A_158 : vector<16xi32> to vector<16xi32>
        tpu.vector_store %arg5[%swap3A_159], %swap3A_162 {strides = array<i32>} : memref<128xi32, #tpu.memory_space<vmem>>, vector<16xi32>,
        scf.yield %max3A_68, %min3A_117 : vector<16xf32>, vector<16xi32>
      }
      %scan3A_12 = arith.constant 40 : i32
      "tpu.region"() ({
        %run_scoped3A_13 = tpu.sem_alloc : memref<!tpu.dma_semaphore, #tpu.memory_space<semaphore_mem>>
        %dma_start3A = arith.constant 0 : i32
        %dma_start3A_14 = tpu.memref_slice %arg3[%add3A, %dma_start3A] : memref<24x128xi32, #tpu.memory_space<hbm>> -> memref<1x128xi32, #tpu.memory_space<hbm>>
        %dma_start3A_15 = tpu.memref_squeeze %dma_start3A_14 : memref<1x128xi32, #tpu.memory_space<hbm>> -> memref<128xi32, #tpu.memory_space<hbm>>
        %dma_start3A_16 = arith.constant 0 : i32
        %dma_start3A_17 = tpu.memref_slice %arg3[%add3A, %dma_start3A_16] : memref<24x128xi32, #tpu.memory_space<hbm>> -> memref<1x128xi32, #tpu.memory_space<hbm>>
        %dma_start3A_18 = tpu.memref_squeeze %dma_start3A_17 : memref<1x128xi32, #tpu.memory_space<hbm>> -> memref<128xi32, #tpu.memory_space<hbm>>
        tpu.enqueue_dma source(%arg5 : memref<128xi32, #tpu.memory_space<vmem>>) target(%dma_start3A_18 : memref<128xi32, #tpu.memory_space<hbm>>) target_semaphore(%run_scoped3A_13 : memref<!tpu.dma_semaphore, #tpu.memory_space<semaphore_mem>>)
        %dma_wait3A = arith.constant 0 : i32
        %dma_wait3A_19 = tpu.memref_slice %arg3[%add3A, %dma_wait3A] : memref<24x128xi32, #tpu.memory_space<hbm>> -> memref<1x128xi32, #tpu.memory_space<hbm>>
        %dma_wait3A_20 = tpu.memref_squeeze %dma_wait3A_19 : memref<1x128xi32, #tpu.memory_space<hbm>> -> memref<128xi32, #tpu.memory_space<hbm>>
        %dma_wait3A_21 = arith.constant 0 : i32
        %dma_wait3A_22 = tpu.memref_slice %arg3[%add3A, %dma_wait3A_21] : memref<24x128xi32, #tpu.memory_space<hbm>> -> memref<1x128xi32, #tpu.memory_space<hbm>>
        %dma_wait3A_23 = tpu.memref_squeeze %dma_wait3A_22 : memref<1x128xi32, #tpu.memory_space<hbm>> -> memref<128xi32, #tpu.memory_space<hbm>>
        tpu.wait_dma2 semaphore(%run_scoped3A_13 : memref<!tpu.dma_semaphore, #tpu.memory_space<semaphore_mem>>) src(%arg5 : memref<128xi32, #tpu.memory_space<vmem>>) dst(%dma_wait3A_23 : memref<128xi32, #tpu.memory_space<hbm>>)
        tpu.yield
      }) : () -> ()
    } else {
    }
    return
  }
}

module attributes {stable_mosaic.version = 14 : i64} {
  func.func @_phase_a(%arg0: i32, %arg1: i32, %arg2: memref<1x2048x64xf32, #tpu.memory_space<vmem>>, %arg3: memref<1x2048x64xf32, #tpu.memory_space<vmem>>, %arg4: memref<2048x2048xbf16, #tpu.memory_space<vmem>>, %arg5: memref<2048x2048xf32, #tpu.memory_space<vmem>>, %arg6: memref<1x24x2048xf32, #tpu.memory_space<vmem>>) attributes {dimension_semantics = [#tpu.dimension_semantics<arbitrary>, #tpu.dimension_semantics<arbitrary>], iteration_bounds = array<i64: 1, 24>, scalar_prefetch = 0 : i64, scratch_operands = 0 : i64, tpu.core_type = #tpu.core_type<tc>, window_params = [{transform_indices = @transform_0, window_bounds = array<i64: 1, 2048, 64>}, {transform_indices = @transform_1, window_bounds = array<i64: 1, 2048, 64>}, {transform_indices = @transform_2, window_bounds = array<i64: 2048, 2048>}, {transform_indices = @transform_3, window_bounds = array<i64: 2048, 2048>}, {transform_indices = @transform_4, window_bounds = array<i64: 1, 24, 2048>}]} {
    %get3A = arith.constant 0 : index
    %get3A_0 = arith.constant 0 : index
    %get3A_1 = arith.constant 0 : index
    %get3A_2 = vector.load %arg2[%get3A, %get3A_0, %get3A_1] : memref<1x2048x64xf32, #tpu.memory_space<vmem>>, vector<1x2048x64xf32>
    %get3A_3 = vector.shape_cast %get3A_2 : vector<1x2048x64xf32> to vector<2048x64xf32>
    %get3A_4 = arith.constant 0 : index
    %get3A_5 = arith.constant 0 : index
    %get3A_6 = arith.constant 0 : index
    %get3A_7 = vector.load %arg3[%get3A_4, %get3A_5, %get3A_6] : memref<1x2048x64xf32, #tpu.memory_space<vmem>>, vector<1x2048x64xf32>
    %get3A_8 = vector.shape_cast %get3A_7 : vector<1x2048x64xf32> to vector<2048x64xf32>
    %convert_element_type3A = arith.truncf %get3A_8 : vector<2048x64xf32> to vector<2048x64xbf16>
    %convert_element_type3A_9 = arith.truncf %get3A_3 : vector<2048x64xf32> to vector<2048x64xbf16>
    %get3A_10 = arith.constant 0 : index
    %get3A_11 = arith.constant 0 : index
    %get3A_12 = vector.load %arg4[%get3A_10, %get3A_11] : memref<2048x2048xbf16, #tpu.memory_space<vmem>>, vector<2048x2048xbf16>
    %dot_general3A = arith.constant dense<0.000000e+00> : vector<2048x2048xf32>
    %dot_general3A_13 = tpu.matmul %convert_element_type3A, %convert_element_type3A_9, %dot_general3A {dimension_numbers = #tpu.dot_dimension_numbers<[1], [1], [0], [0], [0, 0, 1, 0], [], []>, transpose_lhs_hint = false} : vector<2048x64xbf16>, vector<2048x64xbf16>, vector<2048x2048xf32> -> vector<2048x2048xf32>
    %get3A_14 = arith.constant 0 : index
    %get3A_15 = arith.constant 0 : index
    %get3A_16 = vector.load %arg5[%get3A_14, %get3A_15] : memref<2048x2048xf32, #tpu.memory_space<vmem>>, vector<2048x2048xf32>
    %add3A = arith.addf %dot_general3A_13, %get3A_16 : vector<2048x2048xf32>
    %reduce_max3A = arith.constant dense<0xFF800000> : vector<2048xf32>
    %reduce_max3A_17 = vector.multi_reduction <maximumf>, %add3A, %reduce_max3A [0] : vector<2048x2048xf32> to vector<2048xf32>
    %dot_general3A_18 = arith.constant dense<0.000000e+00> : vector<64x2048xf32>
    %dot_general3A_19 = tpu.matmul %convert_element_type3A, %get3A_12, %dot_general3A_18 {dimension_numbers = #tpu.dot_dimension_numbers<[0], [0], [1], [1], [0, 1, 1, 1], [], []>, transpose_lhs_hint = false} : vector<2048x64xbf16>, vector<2048x2048xbf16>, vector<64x2048xf32> -> vector<64x2048xf32>
    %transpose3A = tpu.transpose %get3A_3, [1, 0] : vector<2048x64xf32> -> vector<64x2048xf32>
    %mul3A = arith.mulf %transpose3A, %dot_general3A_19 : vector<64x2048xf32>
    %reduce_sum3A = arith.constant dense<0.000000e+00> : vector<2048xf32>
    %reduce_sum3A_20 = vector.multi_reduction <add>, %mul3A, %reduce_sum3A [0] : vector<64x2048xf32> to vector<2048xf32>
    %mul3A_21 = arith.constant 4.8828125E-4 : f32
    %mul3A_22 = vector.broadcast %mul3A_21 : f32 to vector<2048xf32>
    %mul3A_23 = arith.mulf %reduce_sum3A_20, %mul3A_22 : vector<2048xf32>
    %sub3A = arith.subf %reduce_max3A_17, %mul3A_23 : vector<2048xf32>
    %broadcast_in_dim3A = vector.shape_cast %sub3A : vector<2048xf32> to vector<1x2048xf32>
    %swap3A = arith.constant 0 : index
    %swap3A_24 = arith.index_cast %arg1 : i32 to index
    %swap3A_25 = arith.constant 0 : index
    %swap3A_26 = vector.load %arg6[%swap3A, %swap3A_24, %swap3A_25] : memref<1x24x2048xf32, #tpu.memory_space<vmem>>, vector<1x1x2048xf32>
    %swap3A_27 = vector.shape_cast %swap3A_26 : vector<1x1x2048xf32> to vector<1x2048xf32>
    %swap3A_28 = vector.shape_cast %broadcast_in_dim3A : vector<1x2048xf32> to vector<1x1x2048xf32>
    tpu.vector_store %arg6[%swap3A, %swap3A_24, %swap3A_25], %swap3A_28 {strides = array<i32>} : memref<1x24x2048xf32, #tpu.memory_space<vmem>>, vector<1x1x2048xf32>,
    return
  }
  func.func @transform_0(%arg0: i32, %arg1: i32) -> (i32, i32, i32) {
    %c0_i32 = arith.constant 0 : i32
    %c0_i32_0 = arith.constant 0 : i32
    return %arg1, %arg0, %c0_i32 : i32, i32, i32
  }
  func.func @transform_1(%arg0: i32, %arg1: i32) -> (i32, i32, i32) {
    %c0_i32 = arith.constant 0 : i32
    %c0_i32_0 = arith.constant 0 : i32
    %c0_i32_1 = arith.constant 0 : i32
    return %arg1, %c0_i32, %c0_i32_0 : i32, i32, i32
  }
  func.func @transform_2(%arg0: i32, %arg1: i32) -> (i32, i32) {
    %c0_i32 = arith.constant 0 : i32
    %c0_i32_0 = arith.constant 0 : i32
    return %c0_i32, %arg0 : i32, i32
  }
  func.func @transform_3(%arg0: i32, %arg1: i32) -> (i32, i32) {
    %c0_i32 = arith.constant 0 : i32
    %c0_i32_0 = arith.constant 0 : i32
    return %c0_i32, %arg0 : i32, i32
  }
  func.func @transform_4(%arg0: i32, %arg1: i32) -> (i32, i32, i32) {
    %c0_i32 = arith.constant 0 : i32
    %c0_i32_0 = arith.constant 0 : i32
    %c0_i32_1 = arith.constant 0 : i32
    return %arg0, %c0_i32, %c0_i32_0 : i32, i32, i32
  }
}

module attributes {stable_mosaic.version = 14 : i64} {
  func.func @_phase_c(%arg0: i32, %arg1: memref<24x128xi32, #tpu.memory_space<smem>>, %arg2: memref<1x2048x64xf32, #tpu.memory_space<vmem>>, %arg3: memref<1x2048x64xf32, #tpu.memory_space<vmem>>, %arg4: memref<1x2048x64xf32, #tpu.memory_space<vmem>>, %arg5: memref<1x2048x64xf32, #tpu.memory_space<vmem>>, %arg6: memref<40x64xf32, #tpu.memory_space<vmem>>, %arg7: memref<40x64xf32, #tpu.memory_space<vmem>>) attributes {dimension_semantics = [#tpu.dimension_semantics<arbitrary>], iteration_bounds = array<i64: 24>, scalar_prefetch = 0 : i64, scratch_operands = 2 : i64, tpu.core_type = #tpu.core_type<tc>, window_params = [{transform_indices = @transform_0, window_bounds = array<i64: 24, 128>}, {transform_indices = @transform_1, window_bounds = array<i64: 1, 2048, 64>}, {transform_indices = @transform_2, window_bounds = array<i64: 1, 2048, 64>}, {transform_indices = @transform_3, window_bounds = array<i64: 1, 2048, 64>}, {transform_indices = @transform_4, window_bounds = array<i64: 1, 2048, 64>}]} {
    %get3A = arith.index_cast %arg0 : i32 to index
    %get3A_0 = arith.constant 0 : index
    %get3A_1 = memref.load %arg1[%get3A, %get3A_0] : memref<24x128xi32, #tpu.memory_space<smem>>
    %get3A_2 = arith.constant 0 : index
    %get3A_3 = arith.index_cast %get3A_1 : i32 to index
    %get3A_4 = arith.constant 0 : index
    %get3A_5 = vector.load %arg2[%get3A_2, %get3A_3, %get3A_4] : memref<1x2048x64xf32, #tpu.memory_space<vmem>>, vector<1x1x64xf32>
    %get3A_6 = vector.shape_cast %get3A_5 : vector<1x1x64xf32> to vector<1x64xf32>
    %swap3A = arith.constant 0 : index
    %swap3A_7 = arith.constant 0 : index
    %swap3A_8 = vector.load %arg6[%swap3A, %swap3A_7] : memref<40x64xf32, #tpu.memory_space<vmem>>, vector<1x64xf32>
    tpu.vector_store %arg6[%swap3A, %swap3A_7], %get3A_6 {strides = array<i32>} : memref<40x64xf32, #tpu.memory_space<vmem>>, vector<1x64xf32>,
    %get3A_9 = arith.index_cast %arg0 : i32 to index
    %get3A_10 = arith.constant 1 : index
    %get3A_11 = memref.load %arg1[%get3A_9, %get3A_10] : memref<24x128xi32, #tpu.memory_space<smem>>
    %get3A_12 = arith.constant 0 : index
    %get3A_13 = arith.index_cast %get3A_11 : i32 to index
    %get3A_14 = arith.constant 0 : index
    %get3A_15 = vector.load %arg2[%get3A_12, %get3A_13, %get3A_14] : memref<1x2048x64xf32, #tpu.memory_space<vmem>>, vector<1x1x64xf32>
    %get3A_16 = vector.shape_cast %get3A_15 : vector<1x1x64xf32> to vector<1x64xf32>
    %swap3A_17 = arith.constant 1 : index
    %swap3A_18 = arith.constant 0 : index
    %swap3A_19 = vector.load %arg6[%swap3A_17, %swap3A_18] : memref<40x64xf32, #tpu.memory_space<vmem>>, vector<1x64xf32>
    tpu.vector_store %arg6[%swap3A_17, %swap3A_18], %get3A_16 {strides = array<i32>} : memref<40x64xf32, #tpu.memory_space<vmem>>, vector<1x64xf32>,
    %get3A_20 = arith.index_cast %arg0 : i32 to index
    %get3A_21 = arith.constant 2 : index
    %get3A_22 = memref.load %arg1[%get3A_20, %get3A_21] : memref<24x128xi32, #tpu.memory_space<smem>>
    %get3A_23 = arith.constant 0 : index
    %get3A_24 = arith.index_cast %get3A_22 : i32 to index
    %get3A_25 = arith.constant 0 : index
    %get3A_26 = vector.load %arg2[%get3A_23, %get3A_24, %get3A_25] : memref<1x2048x64xf32, #tpu.memory_space<vmem>>, vector<1x1x64xf32>
    %get3A_27 = vector.shape_cast %get3A_26 : vector<1x1x64xf32> to vector<1x64xf32>
    %swap3A_28 = arith.constant 2 : index
    %swap3A_29 = arith.constant 0 : index
    %swap3A_30 = vector.load %arg6[%swap3A_28, %swap3A_29] : memref<40x64xf32, #tpu.memory_space<vmem>>, vector<1x64xf32>
    tpu.vector_store %arg6[%swap3A_28, %swap3A_29], %get3A_27 {strides = array<i32>} : memref<40x64xf32, #tpu.memory_space<vmem>>, vector<1x64xf32>,
    %get3A_31 = arith.index_cast %arg0 : i32 to index
    %get3A_32 = arith.constant 3 : index
    %get3A_33 = memref.load %arg1[%get3A_31, %get3A_32] : memref<24x128xi32, #tpu.memory_space<smem>>
    %get3A_34 = arith.constant 0 : index
    %get3A_35 = arith.index_cast %get3A_33 : i32 to index
    %get3A_36 = arith.constant 0 : index
    %get3A_37 = vector.load %arg2[%get3A_34, %get3A_35, %get3A_36] : memref<1x2048x64xf32, #tpu.memory_space<vmem>>, vector<1x1x64xf32>
    %get3A_38 = vector.shape_cast %get3A_37 : vector<1x1x64xf32> to vector<1x64xf32>
    %swap3A_39 = arith.constant 3 : index
    %swap3A_40 = arith.constant 0 : index
    %swap3A_41 = vector.load %arg6[%swap3A_39, %swap3A_40] : memref<40x64xf32, #tpu.memory_space<vmem>>, vector<1x64xf32>
    tpu.vector_store %arg6[%swap3A_39, %swap3A_40], %get3A_38 {strides = array<i32>} : memref<40x64xf32, #tpu.memory_space<vmem>>, vector<1x64xf32>,
    %get3A_42 = arith.index_cast %arg0 : i32 to index
    %get3A_43 = arith.constant 4 : index
    %get3A_44 = memref.load %arg1[%get3A_42, %get3A_43] : memref<24x128xi32, #tpu.memory_space<smem>>
    %get3A_45 = arith.constant 0 : index
    %get3A_46 = arith.index_cast %get3A_44 : i32 to index
    %get3A_47 = arith.constant 0 : index
    %get3A_48 = vector.load %arg2[%get3A_45, %get3A_46, %get3A_47] : memref<1x2048x64xf32, #tpu.memory_space<vmem>>, vector<1x1x64xf32>
    %get3A_49 = vector.shape_cast %get3A_48 : vector<1x1x64xf32> to vector<1x64xf32>
    %swap3A_50 = arith.constant 4 : index
    %swap3A_51 = arith.constant 0 : index
    %swap3A_52 = vector.load %arg6[%swap3A_50, %swap3A_51] : memref<40x64xf32, #tpu.memory_space<vmem>>, vector<1x64xf32>
    tpu.vector_store %arg6[%swap3A_50, %swap3A_51], %get3A_49 {strides = array<i32>} : memref<40x64xf32, #tpu.memory_space<vmem>>, vector<1x64xf32>,
    %get3A_53 = arith.index_cast %arg0 : i32 to index
    %get3A_54 = arith.constant 5 : index
    %get3A_55 = memref.load %arg1[%get3A_53, %get3A_54] : memref<24x128xi32, #tpu.memory_space<smem>>
    %get3A_56 = arith.constant 0 : index
    %get3A_57 = arith.index_cast %get3A_55 : i32 to index
    %get3A_58 = arith.constant 0 : index
    %get3A_59 = vector.load %arg2[%get3A_56, %get3A_57, %get3A_58] : memref<1x2048x64xf32, #tpu.memory_space<vmem>>, vector<1x1x64xf32>
    %get3A_60 = vector.shape_cast %get3A_59 : vector<1x1x64xf32> to vector<1x64xf32>
    %swap3A_61 = arith.constant 5 : index
    %swap3A_62 = arith.constant 0 : index
    %swap3A_63 = vector.load %arg6[%swap3A_61, %swap3A_62] : memref<40x64xf32, #tpu.memory_space<vmem>>, vector<1x64xf32>
    tpu.vector_store %arg6[%swap3A_61, %swap3A_62], %get3A_60 {strides = array<i32>} : memref<40x64xf32, #tpu.memory_space<vmem>>, vector<1x64xf32>,
    %get3A_64 = arith.index_cast %arg0 : i32 to index
    %get3A_65 = arith.constant 6 : index
    %get3A_66 = memref.load %arg1[%get3A_64, %get3A_65] : memref<24x128xi32, #tpu.memory_space<smem>>
    %get3A_67 = arith.constant 0 : index
    %get3A_68 = arith.index_cast %get3A_66 : i32 to index
    %get3A_69 = arith.constant 0 : index
    %get3A_70 = vector.load %arg2[%get3A_67, %get3A_68, %get3A_69] : memref<1x2048x64xf32, #tpu.memory_space<vmem>>, vector<1x1x64xf32>
    %get3A_71 = vector.shape_cast %get3A_70 : vector<1x1x64xf32> to vector<1x64xf32>
    %swap3A_72 = arith.constant 6 : index
    %swap3A_73 = arith.constant 0 : index
    %swap3A_74 = vector.load %arg6[%swap3A_72, %swap3A_73] : memref<40x64xf32, #tpu.memory_space<vmem>>, vector<1x64xf32>
    tpu.vector_store %arg6[%swap3A_72, %swap3A_73], %get3A_71 {strides = array<i32>} : memref<40x64xf32, #tpu.memory_space<vmem>>, vector<1x64xf32>,
    %get3A_75 = arith.index_cast %arg0 : i32 to index
    %get3A_76 = arith.constant 7 : index
    %get3A_77 = memref.load %arg1[%get3A_75, %get3A_76] : memref<24x128xi32, #tpu.memory_space<smem>>
    %get3A_78 = arith.constant 0 : index
    %get3A_79 = arith.index_cast %get3A_77 : i32 to index
    %get3A_80 = arith.constant 0 : index
    %get3A_81 = vector.load %arg2[%get3A_78, %get3A_79, %get3A_80] : memref<1x2048x64xf32, #tpu.memory_space<vmem>>, vector<1x1x64xf32>
    %get3A_82 = vector.shape_cast %get3A_81 : vector<1x1x64xf32> to vector<1x64xf32>
    %swap3A_83 = arith.constant 7 : index
    %swap3A_84 = arith.constant 0 : index
    %swap3A_85 = vector.load %arg6[%swap3A_83, %swap3A_84] : memref<40x64xf32, #tpu.memory_space<vmem>>, vector<1x64xf32>
    tpu.vector_store %arg6[%swap3A_83, %swap3A_84], %get3A_82 {strides = array<i32>} : memref<40x64xf32, #tpu.memory_space<vmem>>, vector<1x64xf32>,
    %get3A_86 = arith.index_cast %arg0 : i32 to index
    %get3A_87 = arith.constant 8 : index
    %get3A_88 = memref.load %arg1[%get3A_86, %get3A_87] : memref<24x128xi32, #tpu.memory_space<smem>>
    %get3A_89 = arith.constant 0 : index
    %get3A_90 = arith.index_cast %get3A_88 : i32 to index
    %get3A_91 = arith.constant 0 : index
    %get3A_92 = vector.load %arg2[%get3A_89, %get3A_90, %get3A_91] : memref<1x2048x64xf32, #tpu.memory_space<vmem>>, vector<1x1x64xf32>
    %get3A_93 = vector.shape_cast %get3A_92 : vector<1x1x64xf32> to vector<1x64xf32>
    %swap3A_94 = arith.constant 8 : index
    %swap3A_95 = arith.constant 0 : index
    %swap3A_96 = vector.load %arg6[%swap3A_94, %swap3A_95] : memref<40x64xf32, #tpu.memory_space<vmem>>, vector<1x64xf32>
    tpu.vector_store %arg6[%swap3A_94, %swap3A_95], %get3A_93 {strides = array<i32>} : memref<40x64xf32, #tpu.memory_space<vmem>>, vector<1x64xf32>,
    %get3A_97 = arith.index_cast %arg0 : i32 to index
    %get3A_98 = arith.constant 9 : index
    %get3A_99 = memref.load %arg1[%get3A_97, %get3A_98] : memref<24x128xi32, #tpu.memory_space<smem>>
    %get3A_100 = arith.constant 0 : index
    %get3A_101 = arith.index_cast %get3A_99 : i32 to index
    %get3A_102 = arith.constant 0 : index
    %get3A_103 = vector.load %arg2[%get3A_100, %get3A_101, %get3A_102] : memref<1x2048x64xf32, #tpu.memory_space<vmem>>, vector<1x1x64xf32>
    %get3A_104 = vector.shape_cast %get3A_103 : vector<1x1x64xf32> to vector<1x64xf32>
    %swap3A_105 = arith.constant 9 : index
    %swap3A_106 = arith.constant 0 : index
    %swap3A_107 = vector.load %arg6[%swap3A_105, %swap3A_106] : memref<40x64xf32, #tpu.memory_space<vmem>>, vector<1x64xf32>
    tpu.vector_store %arg6[%swap3A_105, %swap3A_106], %get3A_104 {strides = array<i32>} : memref<40x64xf32, #tpu.memory_space<vmem>>, vector<1x64xf32>,
    %get3A_108 = arith.index_cast %arg0 : i32 to index
    %get3A_109 = arith.constant 10 : index
    %get3A_110 = memref.load %arg1[%get3A_108, %get3A_109] : memref<24x128xi32, #tpu.memory_space<smem>>
    %get3A_111 = arith.constant 0 : index
    %get3A_112 = arith.index_cast %get3A_110 : i32 to index
    %get3A_113 = arith.constant 0 : index
    %get3A_114 = vector.load %arg2[%get3A_111, %get3A_112, %get3A_113] : memref<1x2048x64xf32, #tpu.memory_space<vmem>>, vector<1x1x64xf32>
    %get3A_115 = vector.shape_cast %get3A_114 : vector<1x1x64xf32> to vector<1x64xf32>
    %swap3A_116 = arith.constant 10 : index
    %swap3A_117 = arith.constant 0 : index
    %swap3A_118 = vector.load %arg6[%swap3A_116, %swap3A_117] : memref<40x64xf32, #tpu.memory_space<vmem>>, vector<1x64xf32>
    tpu.vector_store %arg6[%swap3A_116, %swap3A_117], %get3A_115 {strides = array<i32>} : memref<40x64xf32, #tpu.memory_space<vmem>>, vector<1x64xf32>,
    %get3A_119 = arith.index_cast %arg0 : i32 to index
    %get3A_120 = arith.constant 11 : index
    %get3A_121 = memref.load %arg1[%get3A_119, %get3A_120] : memref<24x128xi32, #tpu.memory_space<smem>>
    %get3A_122 = arith.constant 0 : index
    %get3A_123 = arith.index_cast %get3A_121 : i32 to index
    %get3A_124 = arith.constant 0 : index
    %get3A_125 = vector.load %arg2[%get3A_122, %get3A_123, %get3A_124] : memref<1x2048x64xf32, #tpu.memory_space<vmem>>, vector<1x1x64xf32>
    %get3A_126 = vector.shape_cast %get3A_125 : vector<1x1x64xf32> to vector<1x64xf32>
    %swap3A_127 = arith.constant 11 : index
    %swap3A_128 = arith.constant 0 : index
    %swap3A_129 = vector.load %arg6[%swap3A_127, %swap3A_128] : memref<40x64xf32, #tpu.memory_space<vmem>>, vector<1x64xf32>
    tpu.vector_store %arg6[%swap3A_127, %swap3A_128], %get3A_126 {strides = array<i32>} : memref<40x64xf32, #tpu.memory_space<vmem>>, vector<1x64xf32>,
    %get3A_130 = arith.index_cast %arg0 : i32 to index
    %get3A_131 = arith.constant 12 : index
    %get3A_132 = memref.load %arg1[%get3A_130, %get3A_131] : memref<24x128xi32, #tpu.memory_space<smem>>
    %get3A_133 = arith.constant 0 : index
    %get3A_134 = arith.index_cast %get3A_132 : i32 to index
    %get3A_135 = arith.constant 0 : index
    %get3A_136 = vector.load %arg2[%get3A_133, %get3A_134, %get3A_135] : memref<1x2048x64xf32, #tpu.memory_space<vmem>>, vector<1x1x64xf32>
    %get3A_137 = vector.shape_cast %get3A_136 : vector<1x1x64xf32> to vector<1x64xf32>
    %swap3A_138 = arith.constant 12 : index
    %swap3A_139 = arith.constant 0 : index
    %swap3A_140 = vector.load %arg6[%swap3A_138, %swap3A_139] : memref<40x64xf32, #tpu.memory_space<vmem>>, vector<1x64xf32>
    tpu.vector_store %arg6[%swap3A_138, %swap3A_139], %get3A_137 {strides = array<i32>} : memref<40x64xf32, #tpu.memory_space<vmem>>, vector<1x64xf32>,
    %get3A_141 = arith.index_cast %arg0 : i32 to index
    %get3A_142 = arith.constant 13 : index
    %get3A_143 = memref.load %arg1[%get3A_141, %get3A_142] : memref<24x128xi32, #tpu.memory_space<smem>>
    %get3A_144 = arith.constant 0 : index
    %get3A_145 = arith.index_cast %get3A_143 : i32 to index
    %get3A_146 = arith.constant 0 : index
    %get3A_147 = vector.load %arg2[%get3A_144, %get3A_145, %get3A_146] : memref<1x2048x64xf32, #tpu.memory_space<vmem>>, vector<1x1x64xf32>
    %get3A_148 = vector.shape_cast %get3A_147 : vector<1x1x64xf32> to vector<1x64xf32>
    %swap3A_149 = arith.constant 13 : index
    %swap3A_150 = arith.constant 0 : index
    %swap3A_151 = vector.load %arg6[%swap3A_149, %swap3A_150] : memref<40x64xf32, #tpu.memory_space<vmem>>, vector<1x64xf32>
    tpu.vector_store %arg6[%swap3A_149, %swap3A_150], %get3A_148 {strides = array<i32>} : memref<40x64xf32, #tpu.memory_space<vmem>>, vector<1x64xf32>,
    %get3A_152 = arith.index_cast %arg0 : i32 to index
    %get3A_153 = arith.constant 14 : index
    %get3A_154 = memref.load %arg1[%get3A_152, %get3A_153] : memref<24x128xi32, #tpu.memory_space<smem>>
    %get3A_155 = arith.constant 0 : index
    %get3A_156 = arith.index_cast %get3A_154 : i32 to index
    %get3A_157 = arith.constant 0 : index
    %get3A_158 = vector.load %arg2[%get3A_155, %get3A_156, %get3A_157] : memref<1x2048x64xf32, #tpu.memory_space<vmem>>, vector<1x1x64xf32>
    %get3A_159 = vector.shape_cast %get3A_158 : vector<1x1x64xf32> to vector<1x64xf32>
    %swap3A_160 = arith.constant 14 : index
    %swap3A_161 = arith.constant 0 : index
    %swap3A_162 = vector.load %arg6[%swap3A_160, %swap3A_161] : memref<40x64xf32, #tpu.memory_space<vmem>>, vector<1x64xf32>
    tpu.vector_store %arg6[%swap3A_160, %swap3A_161], %get3A_159 {strides = array<i32>} : memref<40x64xf32, #tpu.memory_space<vmem>>, vector<1x64xf32>,
    %get3A_163 = arith.index_cast %arg0 : i32 to index
    %get3A_164 = arith.constant 15 : index
    %get3A_165 = memref.load %arg1[%get3A_163, %get3A_164] : memref<24x128xi32, #tpu.memory_space<smem>>
    %get3A_166 = arith.constant 0 : index
    %get3A_167 = arith.index_cast %get3A_165 : i32 to index
    %get3A_168 = arith.constant 0 : index
    %get3A_169 = vector.load %arg2[%get3A_166, %get3A_167, %get3A_168] : memref<1x2048x64xf32, #tpu.memory_space<vmem>>, vector<1x1x64xf32>
    %get3A_170 = vector.shape_cast %get3A_169 : vector<1x1x64xf32> to vector<1x64xf32>
    %swap3A_171 = arith.constant 15 : index
    %swap3A_172 = arith.constant 0 : index
    %swap3A_173 = vector.load %arg6[%swap3A_171, %swap3A_172] : memref<40x64xf32, #tpu.memory_space<vmem>>, vector<1x64xf32>
    tpu.vector_store %arg6[%swap3A_171, %swap3A_172], %get3A_170 {strides = array<i32>} : memref<40x64xf32, #tpu.memory_space<vmem>>, vector<1x64xf32>,
    %get3A_174 = arith.index_cast %arg0 : i32 to index
    %get3A_175 = arith.constant 16 : index
    %get3A_176 = memref.load %arg1[%get3A_174, %get3A_175] : memref<24x128xi32, #tpu.memory_space<smem>>
    %get3A_177 = arith.constant 0 : index
    %get3A_178 = arith.index_cast %get3A_176 : i32 to index
    %get3A_179 = arith.constant 0 : index
    %get3A_180 = vector.load %arg2[%get3A_177, %get3A_178, %get3A_179] : memref<1x2048x64xf32, #tpu.memory_space<vmem>>, vector<1x1x64xf32>
    %get3A_181 = vector.shape_cast %get3A_180 : vector<1x1x64xf32> to vector<1x64xf32>
    %swap3A_182 = arith.constant 16 : index
    %swap3A_183 = arith.constant 0 : index
    %swap3A_184 = vector.load %arg6[%swap3A_182, %swap3A_183] : memref<40x64xf32, #tpu.memory_space<vmem>>, vector<1x64xf32>
    tpu.vector_store %arg6[%swap3A_182, %swap3A_183], %get3A_181 {strides = array<i32>} : memref<40x64xf32, #tpu.memory_space<vmem>>, vector<1x64xf32>,
    %get3A_185 = arith.index_cast %arg0 : i32 to index
    %get3A_186 = arith.constant 17 : index
    %get3A_187 = memref.load %arg1[%get3A_185, %get3A_186] : memref<24x128xi32, #tpu.memory_space<smem>>
    %get3A_188 = arith.constant 0 : index
    %get3A_189 = arith.index_cast %get3A_187 : i32 to index
    %get3A_190 = arith.constant 0 : index
    %get3A_191 = vector.load %arg2[%get3A_188, %get3A_189, %get3A_190] : memref<1x2048x64xf32, #tpu.memory_space<vmem>>, vector<1x1x64xf32>
    %get3A_192 = vector.shape_cast %get3A_191 : vector<1x1x64xf32> to vector<1x64xf32>
    %swap3A_193 = arith.constant 17 : index
    %swap3A_194 = arith.constant 0 : index
    %swap3A_195 = vector.load %arg6[%swap3A_193, %swap3A_194] : memref<40x64xf32, #tpu.memory_space<vmem>>, vector<1x64xf32>
    tpu.vector_store %arg6[%swap3A_193, %swap3A_194], %get3A_192 {strides = array<i32>} : memref<40x64xf32, #tpu.memory_space<vmem>>, vector<1x64xf32>,
    %get3A_196 = arith.index_cast %arg0 : i32 to index
    %get3A_197 = arith.constant 18 : index
    %get3A_198 = memref.load %arg1[%get3A_196, %get3A_197] : memref<24x128xi32, #tpu.memory_space<smem>>
    %get3A_199 = arith.constant 0 : index
    %get3A_200 = arith.index_cast %get3A_198 : i32 to index
    %get3A_201 = arith.constant 0 : index
    %get3A_202 = vector.load %arg2[%get3A_199, %get3A_200, %get3A_201] : memref<1x2048x64xf32, #tpu.memory_space<vmem>>, vector<1x1x64xf32>
    %get3A_203 = vector.shape_cast %get3A_202 : vector<1x1x64xf32> to vector<1x64xf32>
    %swap3A_204 = arith.constant 18 : index
    %swap3A_205 = arith.constant 0 : index
    %swap3A_206 = vector.load %arg6[%swap3A_204, %swap3A_205] : memref<40x64xf32, #tpu.memory_space<vmem>>, vector<1x64xf32>
    tpu.vector_store %arg6[%swap3A_204, %swap3A_205], %get3A_203 {strides = array<i32>} : memref<40x64xf32, #tpu.memory_space<vmem>>, vector<1x64xf32>,
    %get3A_207 = arith.index_cast %arg0 : i32 to index
    %get3A_208 = arith.constant 19 : index
    %get3A_209 = memref.load %arg1[%get3A_207, %get3A_208] : memref<24x128xi32, #tpu.memory_space<smem>>
    %get3A_210 = arith.constant 0 : index
    %get3A_211 = arith.index_cast %get3A_209 : i32 to index
    %get3A_212 = arith.constant 0 : index
    %get3A_213 = vector.load %arg2[%get3A_210, %get3A_211, %get3A_212] : memref<1x2048x64xf32, #tpu.memory_space<vmem>>, vector<1x1x64xf32>
    %get3A_214 = vector.shape_cast %get3A_213 : vector<1x1x64xf32> to vector<1x64xf32>
    %swap3A_215 = arith.constant 19 : index
    %swap3A_216 = arith.constant 0 : index
    %swap3A_217 = vector.load %arg6[%swap3A_215, %swap3A_216] : memref<40x64xf32, #tpu.memory_space<vmem>>, vector<1x64xf32>
    tpu.vector_store %arg6[%swap3A_215, %swap3A_216], %get3A_214 {strides = array<i32>} : memref<40x64xf32, #tpu.memory_space<vmem>>, vector<1x64xf32>,
    %get3A_218 = arith.index_cast %arg0 : i32 to index
    %get3A_219 = arith.constant 20 : index
    %get3A_220 = memref.load %arg1[%get3A_218, %get3A_219] : memref<24x128xi32, #tpu.memory_space<smem>>
    %get3A_221 = arith.constant 0 : index
    %get3A_222 = arith.index_cast %get3A_220 : i32 to index
    %get3A_223 = arith.constant 0 : index
    %get3A_224 = vector.load %arg2[%get3A_221, %get3A_222, %get3A_223] : memref<1x2048x64xf32, #tpu.memory_space<vmem>>, vector<1x1x64xf32>
    %get3A_225 = vector.shape_cast %get3A_224 : vector<1x1x64xf32> to vector<1x64xf32>
    %swap3A_226 = arith.constant 20 : index
    %swap3A_227 = arith.constant 0 : index
    %swap3A_228 = vector.load %arg6[%swap3A_226, %swap3A_227] : memref<40x64xf32, #tpu.memory_space<vmem>>, vector<1x64xf32>
    tpu.vector_store %arg6[%swap3A_226, %swap3A_227], %get3A_225 {strides = array<i32>} : memref<40x64xf32, #tpu.memory_space<vmem>>, vector<1x64xf32>,
    %get3A_229 = arith.index_cast %arg0 : i32 to index
    %get3A_230 = arith.constant 21 : index
    %get3A_231 = memref.load %arg1[%get3A_229, %get3A_230] : memref<24x128xi32, #tpu.memory_space<smem>>
    %get3A_232 = arith.constant 0 : index
    %get3A_233 = arith.index_cast %get3A_231 : i32 to index
    %get3A_234 = arith.constant 0 : index
    %get3A_235 = vector.load %arg2[%get3A_232, %get3A_233, %get3A_234] : memref<1x2048x64xf32, #tpu.memory_space<vmem>>, vector<1x1x64xf32>
    %get3A_236 = vector.shape_cast %get3A_235 : vector<1x1x64xf32> to vector<1x64xf32>
    %swap3A_237 = arith.constant 21 : index
    %swap3A_238 = arith.constant 0 : index
    %swap3A_239 = vector.load %arg6[%swap3A_237, %swap3A_238] : memref<40x64xf32, #tpu.memory_space<vmem>>, vector<1x64xf32>
    tpu.vector_store %arg6[%swap3A_237, %swap3A_238], %get3A_236 {strides = array<i32>} : memref<40x64xf32, #tpu.memory_space<vmem>>, vector<1x64xf32>,
    %get3A_240 = arith.index_cast %arg0 : i32 to index
    %get3A_241 = arith.constant 22 : index
    %get3A_242 = memref.load %arg1[%get3A_240, %get3A_241] : memref<24x128xi32, #tpu.memory_space<smem>>
    %get3A_243 = arith.constant 0 : index
    %get3A_244 = arith.index_cast %get3A_242 : i32 to index
    %get3A_245 = arith.constant 0 : index
    %get3A_246 = vector.load %arg2[%get3A_243, %get3A_244, %get3A_245] : memref<1x2048x64xf32, #tpu.memory_space<vmem>>, vector<1x1x64xf32>
    %get3A_247 = vector.shape_cast %get3A_246 : vector<1x1x64xf32> to vector<1x64xf32>
    %swap3A_248 = arith.constant 22 : index
    %swap3A_249 = arith.constant 0 : index
    %swap3A_250 = vector.load %arg6[%swap3A_248, %swap3A_249] : memref<40x64xf32, #tpu.memory_space<vmem>>, vector<1x64xf32>
    tpu.vector_store %arg6[%swap3A_248, %swap3A_249], %get3A_247 {strides = array<i32>} : memref<40x64xf32, #tpu.memory_space<vmem>>, vector<1x64xf32>,
    %get3A_251 = arith.index_cast %arg0 : i32 to index
    %get3A_252 = arith.constant 23 : index
    %get3A_253 = memref.load %arg1[%get3A_251, %get3A_252] : memref<24x128xi32, #tpu.memory_space<smem>>
    %get3A_254 = arith.constant 0 : index
    %get3A_255 = arith.index_cast %get3A_253 : i32 to index
    %get3A_256 = arith.constant 0 : index
    %get3A_257 = vector.load %arg2[%get3A_254, %get3A_255, %get3A_256] : memref<1x2048x64xf32, #tpu.memory_space<vmem>>, vector<1x1x64xf32>
    %get3A_258 = vector.shape_cast %get3A_257 : vector<1x1x64xf32> to vector<1x64xf32>
    %swap3A_259 = arith.constant 23 : index
    %swap3A_260 = arith.constant 0 : index
    %swap3A_261 = vector.load %arg6[%swap3A_259, %swap3A_260] : memref<40x64xf32, #tpu.memory_space<vmem>>, vector<1x64xf32>
    tpu.vector_store %arg6[%swap3A_259, %swap3A_260], %get3A_258 {strides = array<i32>} : memref<40x64xf32, #tpu.memory_space<vmem>>, vector<1x64xf32>,
    %get3A_262 = arith.index_cast %arg0 : i32 to index
    %get3A_263 = arith.constant 24 : index
    %get3A_264 = memref.load %arg1[%get3A_262, %get3A_263] : memref<24x128xi32, #tpu.memory_space<smem>>
    %get3A_265 = arith.constant 0 : index
    %get3A_266 = arith.index_cast %get3A_264 : i32 to index
    %get3A_267 = arith.constant 0 : index
    %get3A_268 = vector.load %arg2[%get3A_265, %get3A_266, %get3A_267] : memref<1x2048x64xf32, #tpu.memory_space<vmem>>, vector<1x1x64xf32>
    %get3A_269 = vector.shape_cast %get3A_268 : vector<1x1x64xf32> to vector<1x64xf32>
    %swap3A_270 = arith.constant 24 : index
    %swap3A_271 = arith.constant 0 : index
    %swap3A_272 = vector.load %arg6[%swap3A_270, %swap3A_271] : memref<40x64xf32, #tpu.memory_space<vmem>>, vector<1x64xf32>
    tpu.vector_store %arg6[%swap3A_270, %swap3A_271], %get3A_269 {strides = array<i32>} : memref<40x64xf32, #tpu.memory_space<vmem>>, vector<1x64xf32>,
    %get3A_273 = arith.index_cast %arg0 : i32 to index
    %get3A_274 = arith.constant 25 : index
    %get3A_275 = memref.load %arg1[%get3A_273, %get3A_274] : memref<24x128xi32, #tpu.memory_space<smem>>
    %get3A_276 = arith.constant 0 : index
    %get3A_277 = arith.index_cast %get3A_275 : i32 to index
    %get3A_278 = arith.constant 0 : index
    %get3A_279 = vector.load %arg2[%get3A_276, %get3A_277, %get3A_278] : memref<1x2048x64xf32, #tpu.memory_space<vmem>>, vector<1x1x64xf32>
    %get3A_280 = vector.shape_cast %get3A_279 : vector<1x1x64xf32> to vector<1x64xf32>
    %swap3A_281 = arith.constant 25 : index
    %swap3A_282 = arith.constant 0 : index
    %swap3A_283 = vector.load %arg6[%swap3A_281, %swap3A_282] : memref<40x64xf32, #tpu.memory_space<vmem>>, vector<1x64xf32>
    tpu.vector_store %arg6[%swap3A_281, %swap3A_282], %get3A_280 {strides = array<i32>} : memref<40x64xf32, #tpu.memory_space<vmem>>, vector<1x64xf32>,
    %get3A_284 = arith.index_cast %arg0 : i32 to index
    %get3A_285 = arith.constant 26 : index
    %get3A_286 = memref.load %arg1[%get3A_284, %get3A_285] : memref<24x128xi32, #tpu.memory_space<smem>>
    %get3A_287 = arith.constant 0 : index
    %get3A_288 = arith.index_cast %get3A_286 : i32 to index
    %get3A_289 = arith.constant 0 : index
    %get3A_290 = vector.load %arg2[%get3A_287, %get3A_288, %get3A_289] : memref<1x2048x64xf32, #tpu.memory_space<vmem>>, vector<1x1x64xf32>
    %get3A_291 = vector.shape_cast %get3A_290 : vector<1x1x64xf32> to vector<1x64xf32>
    %swap3A_292 = arith.constant 26 : index
    %swap3A_293 = arith.constant 0 : index
    %swap3A_294 = vector.load %arg6[%swap3A_292, %swap3A_293] : memref<40x64xf32, #tpu.memory_space<vmem>>, vector<1x64xf32>
    tpu.vector_store %arg6[%swap3A_292, %swap3A_293], %get3A_291 {strides = array<i32>} : memref<40x64xf32, #tpu.memory_space<vmem>>, vector<1x64xf32>,
    %get3A_295 = arith.index_cast %arg0 : i32 to index
    %get3A_296 = arith.constant 27 : index
    %get3A_297 = memref.load %arg1[%get3A_295, %get3A_296] : memref<24x128xi32, #tpu.memory_space<smem>>
    %get3A_298 = arith.constant 0 : index
    %get3A_299 = arith.index_cast %get3A_297 : i32 to index
    %get3A_300 = arith.constant 0 : index
    %get3A_301 = vector.load %arg2[%get3A_298, %get3A_299, %get3A_300] : memref<1x2048x64xf32, #tpu.memory_space<vmem>>, vector<1x1x64xf32>
    %get3A_302 = vector.shape_cast %get3A_301 : vector<1x1x64xf32> to vector<1x64xf32>
    %swap3A_303 = arith.constant 27 : index
    %swap3A_304 = arith.constant 0 : index
    %swap3A_305 = vector.load %arg6[%swap3A_303, %swap3A_304] : memref<40x64xf32, #tpu.memory_space<vmem>>, vector<1x64xf32>
    tpu.vector_store %arg6[%swap3A_303, %swap3A_304], %get3A_302 {strides = array<i32>} : memref<40x64xf32, #tpu.memory_space<vmem>>, vector<1x64xf32>,
    %get3A_306 = arith.index_cast %arg0 : i32 to index
    %get3A_307 = arith.constant 28 : index
    %get3A_308 = memref.load %arg1[%get3A_306, %get3A_307] : memref<24x128xi32, #tpu.memory_space<smem>>
    %get3A_309 = arith.constant 0 : index
    %get3A_310 = arith.index_cast %get3A_308 : i32 to index
    %get3A_311 = arith.constant 0 : index
    %get3A_312 = vector.load %arg2[%get3A_309, %get3A_310, %get3A_311] : memref<1x2048x64xf32, #tpu.memory_space<vmem>>, vector<1x1x64xf32>
    %get3A_313 = vector.shape_cast %get3A_312 : vector<1x1x64xf32> to vector<1x64xf32>
    %swap3A_314 = arith.constant 28 : index
    %swap3A_315 = arith.constant 0 : index
    %swap3A_316 = vector.load %arg6[%swap3A_314, %swap3A_315] : memref<40x64xf32, #tpu.memory_space<vmem>>, vector<1x64xf32>
    tpu.vector_store %arg6[%swap3A_314, %swap3A_315], %get3A_313 {strides = array<i32>} : memref<40x64xf32, #tpu.memory_space<vmem>>, vector<1x64xf32>,
    %get3A_317 = arith.index_cast %arg0 : i32 to index
    %get3A_318 = arith.constant 29 : index
    %get3A_319 = memref.load %arg1[%get3A_317, %get3A_318] : memref<24x128xi32, #tpu.memory_space<smem>>
    %get3A_320 = arith.constant 0 : index
    %get3A_321 = arith.index_cast %get3A_319 : i32 to index
    %get3A_322 = arith.constant 0 : index
    %get3A_323 = vector.load %arg2[%get3A_320, %get3A_321, %get3A_322] : memref<1x2048x64xf32, #tpu.memory_space<vmem>>, vector<1x1x64xf32>
    %get3A_324 = vector.shape_cast %get3A_323 : vector<1x1x64xf32> to vector<1x64xf32>
    %swap3A_325 = arith.constant 29 : index
    %swap3A_326 = arith.constant 0 : index
    %swap3A_327 = vector.load %arg6[%swap3A_325, %swap3A_326] : memref<40x64xf32, #tpu.memory_space<vmem>>, vector<1x64xf32>
    tpu.vector_store %arg6[%swap3A_325, %swap3A_326], %get3A_324 {strides = array<i32>} : memref<40x64xf32, #tpu.memory_space<vmem>>, vector<1x64xf32>,
    %get3A_328 = arith.index_cast %arg0 : i32 to index
    %get3A_329 = arith.constant 30 : index
    %get3A_330 = memref.load %arg1[%get3A_328, %get3A_329] : memref<24x128xi32, #tpu.memory_space<smem>>
    %get3A_331 = arith.constant 0 : index
    %get3A_332 = arith.index_cast %get3A_330 : i32 to index
    %get3A_333 = arith.constant 0 : index
    %get3A_334 = vector.load %arg2[%get3A_331, %get3A_332, %get3A_333] : memref<1x2048x64xf32, #tpu.memory_space<vmem>>, vector<1x1x64xf32>
    %get3A_335 = vector.shape_cast %get3A_334 : vector<1x1x64xf32> to vector<1x64xf32>
    %swap3A_336 = arith.constant 30 : index
    %swap3A_337 = arith.constant 0 : index
    %swap3A_338 = vector.load %arg6[%swap3A_336, %swap3A_337] : memref<40x64xf32, #tpu.memory_space<vmem>>, vector<1x64xf32>
    tpu.vector_store %arg6[%swap3A_336, %swap3A_337], %get3A_335 {strides = array<i32>} : memref<40x64xf32, #tpu.memory_space<vmem>>, vector<1x64xf32>,
    %get3A_339 = arith.index_cast %arg0 : i32 to index
    %get3A_340 = arith.constant 31 : index
    %get3A_341 = memref.load %arg1[%get3A_339, %get3A_340] : memref<24x128xi32, #tpu.memory_space<smem>>
    %get3A_342 = arith.constant 0 : index
    %get3A_343 = arith.index_cast %get3A_341 : i32 to index
    %get3A_344 = arith.constant 0 : index
    %get3A_345 = vector.load %arg2[%get3A_342, %get3A_343, %get3A_344] : memref<1x2048x64xf32, #tpu.memory_space<vmem>>, vector<1x1x64xf32>
    %get3A_346 = vector.shape_cast %get3A_345 : vector<1x1x64xf32> to vector<1x64xf32>
    %swap3A_347 = arith.constant 31 : index
    %swap3A_348 = arith.constant 0 : index
    %swap3A_349 = vector.load %arg6[%swap3A_347, %swap3A_348] : memref<40x64xf32, #tpu.memory_space<vmem>>, vector<1x64xf32>
    tpu.vector_store %arg6[%swap3A_347, %swap3A_348], %get3A_346 {strides = array<i32>} : memref<40x64xf32, #tpu.memory_space<vmem>>, vector<1x64xf32>,
    %get3A_350 = arith.index_cast %arg0 : i32 to index
    %get3A_351 = arith.constant 32 : index
    %get3A_352 = memref.load %arg1[%get3A_350, %get3A_351] : memref<24x128xi32, #tpu.memory_space<smem>>
    %get3A_353 = arith.constant 0 : index
    %get3A_354 = arith.index_cast %get3A_352 : i32 to index
    %get3A_355 = arith.constant 0 : index
    %get3A_356 = vector.load %arg2[%get3A_353, %get3A_354, %get3A_355] : memref<1x2048x64xf32, #tpu.memory_space<vmem>>, vector<1x1x64xf32>
    %get3A_357 = vector.shape_cast %get3A_356 : vector<1x1x64xf32> to vector<1x64xf32>
    %swap3A_358 = arith.constant 32 : index
    %swap3A_359 = arith.constant 0 : index
    %swap3A_360 = vector.load %arg6[%swap3A_358, %swap3A_359] : memref<40x64xf32, #tpu.memory_space<vmem>>, vector<1x64xf32>
    tpu.vector_store %arg6[%swap3A_358, %swap3A_359], %get3A_357 {strides = array<i32>} : memref<40x64xf32, #tpu.memory_space<vmem>>, vector<1x64xf32>,
    %get3A_361 = arith.index_cast %arg0 : i32 to index
    %get3A_362 = arith.constant 33 : index
    %get3A_363 = memref.load %arg1[%get3A_361, %get3A_362] : memref<24x128xi32, #tpu.memory_space<smem>>
    %get3A_364 = arith.constant 0 : index
    %get3A_365 = arith.index_cast %get3A_363 : i32 to index
    %get3A_366 = arith.constant 0 : index
    %get3A_367 = vector.load %arg2[%get3A_364, %get3A_365, %get3A_366] : memref<1x2048x64xf32, #tpu.memory_space<vmem>>, vector<1x1x64xf32>
    %get3A_368 = vector.shape_cast %get3A_367 : vector<1x1x64xf32> to vector<1x64xf32>
    %swap3A_369 = arith.constant 33 : index
    %swap3A_370 = arith.constant 0 : index
    %swap3A_371 = vector.load %arg6[%swap3A_369, %swap3A_370] : memref<40x64xf32, #tpu.memory_space<vmem>>, vector<1x64xf32>
    tpu.vector_store %arg6[%swap3A_369, %swap3A_370], %get3A_368 {strides = array<i32>} : memref<40x64xf32, #tpu.memory_space<vmem>>, vector<1x64xf32>,
    %get3A_372 = arith.index_cast %arg0 : i32 to index
    %get3A_373 = arith.constant 34 : index
    %get3A_374 = memref.load %arg1[%get3A_372, %get3A_373] : memref<24x128xi32, #tpu.memory_space<smem>>
    %get3A_375 = arith.constant 0 : index
    %get3A_376 = arith.index_cast %get3A_374 : i32 to index
    %get3A_377 = arith.constant 0 : index
    %get3A_378 = vector.load %arg2[%get3A_375, %get3A_376, %get3A_377] : memref<1x2048x64xf32, #tpu.memory_space<vmem>>, vector<1x1x64xf32>
    %get3A_379 = vector.shape_cast %get3A_378 : vector<1x1x64xf32> to vector<1x64xf32>
    %swap3A_380 = arith.constant 34 : index
    %swap3A_381 = arith.constant 0 : index
    %swap3A_382 = vector.load %arg6[%swap3A_380, %swap3A_381] : memref<40x64xf32, #tpu.memory_space<vmem>>, vector<1x64xf32>
    tpu.vector_store %arg6[%swap3A_380, %swap3A_381], %get3A_379 {strides = array<i32>} : memref<40x64xf32, #tpu.memory_space<vmem>>, vector<1x64xf32>,
    %get3A_383 = arith.index_cast %arg0 : i32 to index
    %get3A_384 = arith.constant 35 : index
    %get3A_385 = memref.load %arg1[%get3A_383, %get3A_384] : memref<24x128xi32, #tpu.memory_space<smem>>
    %get3A_386 = arith.constant 0 : index
    %get3A_387 = arith.index_cast %get3A_385 : i32 to index
    %get3A_388 = arith.constant 0 : index
    %get3A_389 = vector.load %arg2[%get3A_386, %get3A_387, %get3A_388] : memref<1x2048x64xf32, #tpu.memory_space<vmem>>, vector<1x1x64xf32>
    %get3A_390 = vector.shape_cast %get3A_389 : vector<1x1x64xf32> to vector<1x64xf32>
    %swap3A_391 = arith.constant 35 : index
    %swap3A_392 = arith.constant 0 : index
    %swap3A_393 = vector.load %arg6[%swap3A_391, %swap3A_392] : memref<40x64xf32, #tpu.memory_space<vmem>>, vector<1x64xf32>
    tpu.vector_store %arg6[%swap3A_391, %swap3A_392], %get3A_390 {strides = array<i32>} : memref<40x64xf32, #tpu.memory_space<vmem>>, vector<1x64xf32>,
    %get3A_394 = arith.index_cast %arg0 : i32 to index
    %get3A_395 = arith.constant 36 : index
    %get3A_396 = memref.load %arg1[%get3A_394, %get3A_395] : memref<24x128xi32, #tpu.memory_space<smem>>
    %get3A_397 = arith.constant 0 : index
    %get3A_398 = arith.index_cast %get3A_396 : i32 to index
    %get3A_399 = arith.constant 0 : index
    %get3A_400 = vector.load %arg2[%get3A_397, %get3A_398, %get3A_399] : memref<1x2048x64xf32, #tpu.memory_space<vmem>>, vector<1x1x64xf32>
    %get3A_401 = vector.shape_cast %get3A_400 : vector<1x1x64xf32> to vector<1x64xf32>
    %swap3A_402 = arith.constant 36 : index
    %swap3A_403 = arith.constant 0 : index
    %swap3A_404 = vector.load %arg6[%swap3A_402, %swap3A_403] : memref<40x64xf32, #tpu.memory_space<vmem>>, vector<1x64xf32>
    tpu.vector_store %arg6[%swap3A_402, %swap3A_403], %get3A_401 {strides = array<i32>} : memref<40x64xf32, #tpu.memory_space<vmem>>, vector<1x64xf32>,
    %get3A_405 = arith.index_cast %arg0 : i32 to index
    %get3A_406 = arith.constant 37 : index
    %get3A_407 = memref.load %arg1[%get3A_405, %get3A_406] : memref<24x128xi32, #tpu.memory_space<smem>>
    %get3A_408 = arith.constant 0 : index
    %get3A_409 = arith.index_cast %get3A_407 : i32 to index
    %get3A_410 = arith.constant 0 : index
    %get3A_411 = vector.load %arg2[%get3A_408, %get3A_409, %get3A_410] : memref<1x2048x64xf32, #tpu.memory_space<vmem>>, vector<1x1x64xf32>
    %get3A_412 = vector.shape_cast %get3A_411 : vector<1x1x64xf32> to vector<1x64xf32>
    %swap3A_413 = arith.constant 37 : index
    %swap3A_414 = arith.constant 0 : index
    %swap3A_415 = vector.load %arg6[%swap3A_413, %swap3A_414] : memref<40x64xf32, #tpu.memory_space<vmem>>, vector<1x64xf32>
    tpu.vector_store %arg6[%swap3A_413, %swap3A_414], %get3A_412 {strides = array<i32>} : memref<40x64xf32, #tpu.memory_space<vmem>>, vector<1x64xf32>,
    %get3A_416 = arith.index_cast %arg0 : i32 to index
    %get3A_417 = arith.constant 38 : index
    %get3A_418 = memref.load %arg1[%get3A_416, %get3A_417] : memref<24x128xi32, #tpu.memory_space<smem>>
    %get3A_419 = arith.constant 0 : index
    %get3A_420 = arith.index_cast %get3A_418 : i32 to index
    %get3A_421 = arith.constant 0 : index
    %get3A_422 = vector.load %arg2[%get3A_419, %get3A_420, %get3A_421] : memref<1x2048x64xf32, #tpu.memory_space<vmem>>, vector<1x1x64xf32>
    %get3A_423 = vector.shape_cast %get3A_422 : vector<1x1x64xf32> to vector<1x64xf32>
    %swap3A_424 = arith.constant 38 : index
    %swap3A_425 = arith.constant 0 : index
    %swap3A_426 = vector.load %arg6[%swap3A_424, %swap3A_425] : memref<40x64xf32, #tpu.memory_space<vmem>>, vector<1x64xf32>
    tpu.vector_store %arg6[%swap3A_424, %swap3A_425], %get3A_423 {strides = array<i32>} : memref<40x64xf32, #tpu.memory_space<vmem>>, vector<1x64xf32>,
    %get3A_427 = arith.index_cast %arg0 : i32 to index
    %get3A_428 = arith.constant 39 : index
    %get3A_429 = memref.load %arg1[%get3A_427, %get3A_428] : memref<24x128xi32, #tpu.memory_space<smem>>
    %get3A_430 = arith.constant 0 : index
    %get3A_431 = arith.index_cast %get3A_429 : i32 to index
    %get3A_432 = arith.constant 0 : index
    %get3A_433 = vector.load %arg2[%get3A_430, %get3A_431, %get3A_432] : memref<1x2048x64xf32, #tpu.memory_space<vmem>>, vector<1x1x64xf32>
    %get3A_434 = vector.shape_cast %get3A_433 : vector<1x1x64xf32> to vector<1x64xf32>
    %swap3A_435 = arith.constant 39 : index
    %swap3A_436 = arith.constant 0 : index
    %swap3A_437 = vector.load %arg6[%swap3A_435, %swap3A_436] : memref<40x64xf32, #tpu.memory_space<vmem>>, vector<1x64xf32>
    tpu.vector_store %arg6[%swap3A_435, %swap3A_436], %get3A_434 {strides = array<i32>} : memref<40x64xf32, #tpu.memory_space<vmem>>, vector<1x64xf32>,
    %get3A_438 = arith.constant 0 : index
    %get3A_439 = arith.constant 0 : index
    %get3A_440 = arith.constant 0 : index
    %get3A_441 = vector.load %arg3[%get3A_438, %get3A_439, %get3A_440] : memref<1x2048x64xf32, #tpu.memory_space<vmem>>, vector<1x2048x64xf32>
    %get3A_442 = vector.shape_cast %get3A_441 : vector<1x2048x64xf32> to vector<2048x64xf32>
    %get3A_443 = arith.constant 0 : index
    %get3A_444 = arith.constant 0 : index
    %get3A_445 = arith.constant 0 : index
    %get3A_446 = vector.load %arg4[%get3A_443, %get3A_444, %get3A_445] : memref<1x2048x64xf32, #tpu.memory_space<vmem>>, vector<1x2048x64xf32>
    %get3A_447 = vector.shape_cast %get3A_446 : vector<1x2048x64xf32> to vector<2048x64xf32>
    %get3A_448 = arith.constant 0 : index
    %get3A_449 = arith.constant 0 : index
    %get3A_450 = vector.load %arg6[%get3A_448, %get3A_449] : memref<40x64xf32, #tpu.memory_space<vmem>>, vector<40x64xf32>
    %convert_element_type3A = arith.truncf %get3A_450 : vector<40x64xf32> to vector<40x64xbf16>
    %convert_element_type3A_451 = arith.truncf %get3A_442 : vector<2048x64xf32> to vector<2048x64xbf16>
    %dot_general3A = arith.constant dense<0.000000e+00> : vector<40x2048xf32>
    %dot_general3A_452 = tpu.matmul %convert_element_type3A, %convert_element_type3A_451, %dot_general3A {dimension_numbers = #tpu.dot_dimension_numbers<[1], [1], [0], [0], [0, 0, 1, 0], [], []>, transpose_lhs_hint = false} : vector<40x64xbf16>, vector<2048x64xbf16>, vector<40x2048xf32> -> vector<40x2048xf32>
    %mul3A = arith.constant 1.250000e-01 : f32
    %mul3A_453 = vector.broadcast %mul3A : f32 to vector<40x2048xf32>
    %mul3A_454 = arith.mulf %dot_general3A_452, %mul3A_453 : vector<40x2048xf32>
    %reduce_max3A = arith.constant dense<0xFF800000> : vector<40xf32>
    %reduce_max3A_455 = vector.multi_reduction <maximumf>, %mul3A_454, %reduce_max3A [1] : vector<40x2048xf32> to vector<40xf32>
    %broadcast_in_dim3A = vector.shape_cast %reduce_max3A_455 : vector<40xf32> to vector<40x1xf32>
    %sub3A = vector.broadcast %broadcast_in_dim3A : vector<40x1xf32> to vector<40x2048xf32>
    %sub3A_456 = arith.subf %mul3A_454, %sub3A : vector<40x2048xf32>
    %exp3A = math.exp %sub3A_456 : vector<40x2048xf32>
    %reduce_sum3A = arith.constant dense<0.000000e+00> : vector<40xf32>
    %reduce_sum3A_457 = vector.multi_reduction <add>, %exp3A, %reduce_sum3A [1] : vector<40x2048xf32> to vector<40xf32>
    %broadcast_in_dim3A_458 = vector.shape_cast %reduce_sum3A_457 : vector<40xf32> to vector<40x1xf32>
    %div3A = vector.broadcast %broadcast_in_dim3A_458 : vector<40x1xf32> to vector<40x2048xf32>
    %div3A_459 = arith.divf %exp3A, %div3A : vector<40x2048xf32>
    %convert_element_type3A_460 = arith.truncf %div3A_459 : vector<40x2048xf32> to vector<40x2048xbf16>
    %convert_element_type3A_461 = arith.truncf %get3A_447 : vector<2048x64xf32> to vector<2048x64xbf16>
    %dot_general3A_462 = arith.constant dense<0.000000e+00> : vector<40x64xf32>
    %dot_general3A_463 = tpu.matmul %convert_element_type3A_460, %convert_element_type3A_461, %dot_general3A_462 {dimension_numbers = #tpu.dot_dimension_numbers<[1], [0], [0], [1], [0, 0, 1, 1], [], []>, transpose_lhs_hint = false} : vector<40x2048xbf16>, vector<2048x64xbf16>, vector<40x64xf32> -> vector<40x64xf32>
    %swap3A_464 = arith.constant 0 : index
    %swap3A_465 = arith.constant 0 : index
    %swap3A_466 = vector.load %arg7[%swap3A_464, %swap3A_465] : memref<40x64xf32, #tpu.memory_space<vmem>>, vector<40x64xf32>
    tpu.vector_store %arg7[%swap3A_464, %swap3A_465], %dot_general3A_463 {strides = array<i32>} : memref<40x64xf32, #tpu.memory_space<vmem>>, vector<40x64xf32>,
    %reduce_sum3A_467 = arith.constant dense<0.000000e+00> : vector<64xf32>
    %reduce_sum3A_468 = vector.multi_reduction <add>, %get3A_447, %reduce_sum3A_467 [0] : vector<2048x64xf32> to vector<64xf32>
    %broadcast_in_dim3A_469 = vector.shape_cast %reduce_sum3A_468 : vector<64xf32> to vector<1x64xf32>
    %mul3A_470 = arith.constant 4.8828125E-4 : f32
    %mul3A_471 = vector.broadcast %mul3A_470 : f32 to vector<1x64xf32>
    %mul3A_472 = arith.mulf %broadcast_in_dim3A_469, %mul3A_471 : vector<1x64xf32>
    %broadcast_in_dim3A_473 = vector.shape_cast %mul3A_472 : vector<1x64xf32> to vector<1x64xf32>
    %broadcast_in_dim3A_474 = vector.broadcast %broadcast_in_dim3A_473 : vector<1x64xf32> to vector<2048x64xf32>
    %swap3A_475 = arith.constant 0 : index
    %swap3A_476 = arith.constant 0 : index
    %swap3A_477 = arith.constant 0 : index
    %swap3A_478 = vector.load %arg5[%swap3A_475, %swap3A_476, %swap3A_477] : memref<1x2048x64xf32, #tpu.memory_space<vmem>>, vector<1x2048x64xf32>
    %swap3A_479 = vector.shape_cast %swap3A_478 : vector<1x2048x64xf32> to vector<2048x64xf32>
    %swap3A_480 = vector.shape_cast %broadcast_in_dim3A_474 : vector<2048x64xf32> to vector<1x2048x64xf32>
    tpu.vector_store %arg5[%swap3A_475, %swap3A_476, %swap3A_477], %swap3A_480 {strides = array<i32>} : memref<1x2048x64xf32, #tpu.memory_space<vmem>>, vector<1x2048x64xf32>,
    %get3A_481 = arith.index_cast %arg0 : i32 to index
    %get3A_482 = arith.constant 0 : index
    %get3A_483 = memref.load %arg1[%get3A_481, %get3A_482] : memref<24x128xi32, #tpu.memory_space<smem>>
    %get3A_484 = arith.constant 0 : index
    %get3A_485 = arith.constant 0 : index
    %get3A_486 = vector.load %arg7[%get3A_484, %get3A_485] : memref<40x64xf32, #tpu.memory_space<vmem>>, vector<1x64xf32>
    %swap3A_487 = arith.constant 0 : index
    %swap3A_488 = arith.index_cast %get3A_483 : i32 to index
    %swap3A_489 = arith.constant 0 : index
    %swap3A_490 = vector.load %arg5[%swap3A_487, %swap3A_488, %swap3A_489] : memref<1x2048x64xf32, #tpu.memory_space<vmem>>, vector<1x1x64xf32>
    %swap3A_491 = vector.shape_cast %swap3A_490 : vector<1x1x64xf32> to vector<1x64xf32>
    %swap3A_492 = vector.shape_cast %get3A_486 : vector<1x64xf32> to vector<1x1x64xf32>
    tpu.vector_store %arg5[%swap3A_487, %swap3A_488, %swap3A_489], %swap3A_492 {strides = array<i32>} : memref<1x2048x64xf32, #tpu.memory_space<vmem>>, vector<1x1x64xf32>,
    %get3A_493 = arith.index_cast %arg0 : i32 to index
    %get3A_494 = arith.constant 1 : index
    %get3A_495 = memref.load %arg1[%get3A_493, %get3A_494] : memref<24x128xi32, #tpu.memory_space<smem>>
    %get3A_496 = arith.constant 1 : index
    %get3A_497 = arith.constant 0 : index
    %get3A_498 = vector.load %arg7[%get3A_496, %get3A_497] : memref<40x64xf32, #tpu.memory_space<vmem>>, vector<1x64xf32>
    %swap3A_499 = arith.constant 0 : index
    %swap3A_500 = arith.index_cast %get3A_495 : i32 to index
    %swap3A_501 = arith.constant 0 : index
    %swap3A_502 = vector.load %arg5[%swap3A_499, %swap3A_500, %swap3A_501] : memref<1x2048x64xf32, #tpu.memory_space<vmem>>, vector<1x1x64xf32>
    %swap3A_503 = vector.shape_cast %swap3A_502 : vector<1x1x64xf32> to vector<1x64xf32>
    %swap3A_504 = vector.shape_cast %get3A_498 : vector<1x64xf32> to vector<1x1x64xf32>
    tpu.vector_store %arg5[%swap3A_499, %swap3A_500, %swap3A_501], %swap3A_504 {strides = array<i32>} : memref<1x2048x64xf32, #tpu.memory_space<vmem>>, vector<1x1x64xf32>,
    %get3A_505 = arith.index_cast %arg0 : i32 to index
    %get3A_506 = arith.constant 2 : index
    %get3A_507 = memref.load %arg1[%get3A_505, %get3A_506] : memref<24x128xi32, #tpu.memory_space<smem>>
    %get3A_508 = arith.constant 2 : index
    %get3A_509 = arith.constant 0 : index
    %get3A_510 = vector.load %arg7[%get3A_508, %get3A_509] : memref<40x64xf32, #tpu.memory_space<vmem>>, vector<1x64xf32>
    %swap3A_511 = arith.constant 0 : index
    %swap3A_512 = arith.index_cast %get3A_507 : i32 to index
    %swap3A_513 = arith.constant 0 : index
    %swap3A_514 = vector.load %arg5[%swap3A_511, %swap3A_512, %swap3A_513] : memref<1x2048x64xf32, #tpu.memory_space<vmem>>, vector<1x1x64xf32>
    %swap3A_515 = vector.shape_cast %swap3A_514 : vector<1x1x64xf32> to vector<1x64xf32>
    %swap3A_516 = vector.shape_cast %get3A_510 : vector<1x64xf32> to vector<1x1x64xf32>
    tpu.vector_store %arg5[%swap3A_511, %swap3A_512, %swap3A_513], %swap3A_516 {strides = array<i32>} : memref<1x2048x64xf32, #tpu.memory_space<vmem>>, vector<1x1x64xf32>,
    %get3A_517 = arith.index_cast %arg0 : i32 to index
    %get3A_518 = arith.constant 3 : index
    %get3A_519 = memref.load %arg1[%get3A_517, %get3A_518] : memref<24x128xi32, #tpu.memory_space<smem>>
    %get3A_520 = arith.constant 3 : index
    %get3A_521 = arith.constant 0 : index
    %get3A_522 = vector.load %arg7[%get3A_520, %get3A_521] : memref<40x64xf32, #tpu.memory_space<vmem>>, vector<1x64xf32>
    %swap3A_523 = arith.constant 0 : index
    %swap3A_524 = arith.index_cast %get3A_519 : i32 to index
    %swap3A_525 = arith.constant 0 : index
    %swap3A_526 = vector.load %arg5[%swap3A_523, %swap3A_524, %swap3A_525] : memref<1x2048x64xf32, #tpu.memory_space<vmem>>, vector<1x1x64xf32>
    %swap3A_527 = vector.shape_cast %swap3A_526 : vector<1x1x64xf32> to vector<1x64xf32>
    %swap3A_528 = vector.shape_cast %get3A_522 : vector<1x64xf32> to vector<1x1x64xf32>
    tpu.vector_store %arg5[%swap3A_523, %swap3A_524, %swap3A_525], %swap3A_528 {strides = array<i32>} : memref<1x2048x64xf32, #tpu.memory_space<vmem>>, vector<1x1x64xf32>,
    %get3A_529 = arith.index_cast %arg0 : i32 to index
    %get3A_530 = arith.constant 4 : index
    %get3A_531 = memref.load %arg1[%get3A_529, %get3A_530] : memref<24x128xi32, #tpu.memory_space<smem>>
    %get3A_532 = arith.constant 4 : index
    %get3A_533 = arith.constant 0 : index
    %get3A_534 = vector.load %arg7[%get3A_532, %get3A_533] : memref<40x64xf32, #tpu.memory_space<vmem>>, vector<1x64xf32>
    %swap3A_535 = arith.constant 0 : index
    %swap3A_536 = arith.index_cast %get3A_531 : i32 to index
    %swap3A_537 = arith.constant 0 : index
    %swap3A_538 = vector.load %arg5[%swap3A_535, %swap3A_536, %swap3A_537] : memref<1x2048x64xf32, #tpu.memory_space<vmem>>, vector<1x1x64xf32>
    %swap3A_539 = vector.shape_cast %swap3A_538 : vector<1x1x64xf32> to vector<1x64xf32>
    %swap3A_540 = vector.shape_cast %get3A_534 : vector<1x64xf32> to vector<1x1x64xf32>
    tpu.vector_store %arg5[%swap3A_535, %swap3A_536, %swap3A_537], %swap3A_540 {strides = array<i32>} : memref<1x2048x64xf32, #tpu.memory_space<vmem>>, vector<1x1x64xf32>,
    %get3A_541 = arith.index_cast %arg0 : i32 to index
    %get3A_542 = arith.constant 5 : index
    %get3A_543 = memref.load %arg1[%get3A_541, %get3A_542] : memref<24x128xi32, #tpu.memory_space<smem>>
    %get3A_544 = arith.constant 5 : index
    %get3A_545 = arith.constant 0 : index
    %get3A_546 = vector.load %arg7[%get3A_544, %get3A_545] : memref<40x64xf32, #tpu.memory_space<vmem>>, vector<1x64xf32>
    %swap3A_547 = arith.constant 0 : index
    %swap3A_548 = arith.index_cast %get3A_543 : i32 to index
    %swap3A_549 = arith.constant 0 : index
    %swap3A_550 = vector.load %arg5[%swap3A_547, %swap3A_548, %swap3A_549] : memref<1x2048x64xf32, #tpu.memory_space<vmem>>, vector<1x1x64xf32>
    %swap3A_551 = vector.shape_cast %swap3A_550 : vector<1x1x64xf32> to vector<1x64xf32>
    %swap3A_552 = vector.shape_cast %get3A_546 : vector<1x64xf32> to vector<1x1x64xf32>
    tpu.vector_store %arg5[%swap3A_547, %swap3A_548, %swap3A_549], %swap3A_552 {strides = array<i32>} : memref<1x2048x64xf32, #tpu.memory_space<vmem>>, vector<1x1x64xf32>,
    %get3A_553 = arith.index_cast %arg0 : i32 to index
    %get3A_554 = arith.constant 6 : index
    %get3A_555 = memref.load %arg1[%get3A_553, %get3A_554] : memref<24x128xi32, #tpu.memory_space<smem>>
    %get3A_556 = arith.constant 6 : index
    %get3A_557 = arith.constant 0 : index
    %get3A_558 = vector.load %arg7[%get3A_556, %get3A_557] : memref<40x64xf32, #tpu.memory_space<vmem>>, vector<1x64xf32>
    %swap3A_559 = arith.constant 0 : index
    %swap3A_560 = arith.index_cast %get3A_555 : i32 to index
    %swap3A_561 = arith.constant 0 : index
    %swap3A_562 = vector.load %arg5[%swap3A_559, %swap3A_560, %swap3A_561] : memref<1x2048x64xf32, #tpu.memory_space<vmem>>, vector<1x1x64xf32>
    %swap3A_563 = vector.shape_cast %swap3A_562 : vector<1x1x64xf32> to vector<1x64xf32>
    %swap3A_564 = vector.shape_cast %get3A_558 : vector<1x64xf32> to vector<1x1x64xf32>
    tpu.vector_store %arg5[%swap3A_559, %swap3A_560, %swap3A_561], %swap3A_564 {strides = array<i32>} : memref<1x2048x64xf32, #tpu.memory_space<vmem>>, vector<1x1x64xf32>,
    %get3A_565 = arith.index_cast %arg0 : i32 to index
    %get3A_566 = arith.constant 7 : index
    %get3A_567 = memref.load %arg1[%get3A_565, %get3A_566] : memref<24x128xi32, #tpu.memory_space<smem>>
    %get3A_568 = arith.constant 7 : index
    %get3A_569 = arith.constant 0 : index
    %get3A_570 = vector.load %arg7[%get3A_568, %get3A_569] : memref<40x64xf32, #tpu.memory_space<vmem>>, vector<1x64xf32>
    %swap3A_571 = arith.constant 0 : index
    %swap3A_572 = arith.index_cast %get3A_567 : i32 to index
    %swap3A_573 = arith.constant 0 : index
    %swap3A_574 = vector.load %arg5[%swap3A_571, %swap3A_572, %swap3A_573] : memref<1x2048x64xf32, #tpu.memory_space<vmem>>, vector<1x1x64xf32>
    %swap3A_575 = vector.shape_cast %swap3A_574 : vector<1x1x64xf32> to vector<1x64xf32>
    %swap3A_576 = vector.shape_cast %get3A_570 : vector<1x64xf32> to vector<1x1x64xf32>
    tpu.vector_store %arg5[%swap3A_571, %swap3A_572, %swap3A_573], %swap3A_576 {strides = array<i32>} : memref<1x2048x64xf32, #tpu.memory_space<vmem>>, vector<1x1x64xf32>,
    %get3A_577 = arith.index_cast %arg0 : i32 to index
    %get3A_578 = arith.constant 8 : index
    %get3A_579 = memref.load %arg1[%get3A_577, %get3A_578] : memref<24x128xi32, #tpu.memory_space<smem>>
    %get3A_580 = arith.constant 8 : index
    %get3A_581 = arith.constant 0 : index
    %get3A_582 = vector.load %arg7[%get3A_580, %get3A_581] : memref<40x64xf32, #tpu.memory_space<vmem>>, vector<1x64xf32>
    %swap3A_583 = arith.constant 0 : index
    %swap3A_584 = arith.index_cast %get3A_579 : i32 to index
    %swap3A_585 = arith.constant 0 : index
    %swap3A_586 = vector.load %arg5[%swap3A_583, %swap3A_584, %swap3A_585] : memref<1x2048x64xf32, #tpu.memory_space<vmem>>, vector<1x1x64xf32>
    %swap3A_587 = vector.shape_cast %swap3A_586 : vector<1x1x64xf32> to vector<1x64xf32>
    %swap3A_588 = vector.shape_cast %get3A_582 : vector<1x64xf32> to vector<1x1x64xf32>
    tpu.vector_store %arg5[%swap3A_583, %swap3A_584, %swap3A_585], %swap3A_588 {strides = array<i32>} : memref<1x2048x64xf32, #tpu.memory_space<vmem>>, vector<1x1x64xf32>,
    %get3A_589 = arith.index_cast %arg0 : i32 to index
    %get3A_590 = arith.constant 9 : index
    %get3A_591 = memref.load %arg1[%get3A_589, %get3A_590] : memref<24x128xi32, #tpu.memory_space<smem>>
    %get3A_592 = arith.constant 9 : index
    %get3A_593 = arith.constant 0 : index
    %get3A_594 = vector.load %arg7[%get3A_592, %get3A_593] : memref<40x64xf32, #tpu.memory_space<vmem>>, vector<1x64xf32>
    %swap3A_595 = arith.constant 0 : index
    %swap3A_596 = arith.index_cast %get3A_591 : i32 to index
    %swap3A_597 = arith.constant 0 : index
    %swap3A_598 = vector.load %arg5[%swap3A_595, %swap3A_596, %swap3A_597] : memref<1x2048x64xf32, #tpu.memory_space<vmem>>, vector<1x1x64xf32>
    %swap3A_599 = vector.shape_cast %swap3A_598 : vector<1x1x64xf32> to vector<1x64xf32>
    %swap3A_600 = vector.shape_cast %get3A_594 : vector<1x64xf32> to vector<1x1x64xf32>
    tpu.vector_store %arg5[%swap3A_595, %swap3A_596, %swap3A_597], %swap3A_600 {strides = array<i32>} : memref<1x2048x64xf32, #tpu.memory_space<vmem>>, vector<1x1x64xf32>,
    %get3A_601 = arith.index_cast %arg0 : i32 to index
    %get3A_602 = arith.constant 10 : index
    %get3A_603 = memref.load %arg1[%get3A_601, %get3A_602] : memref<24x128xi32, #tpu.memory_space<smem>>
    %get3A_604 = arith.constant 10 : index
    %get3A_605 = arith.constant 0 : index
    %get3A_606 = vector.load %arg7[%get3A_604, %get3A_605] : memref<40x64xf32, #tpu.memory_space<vmem>>, vector<1x64xf32>
    %swap3A_607 = arith.constant 0 : index
    %swap3A_608 = arith.index_cast %get3A_603 : i32 to index
    %swap3A_609 = arith.constant 0 : index
    %swap3A_610 = vector.load %arg5[%swap3A_607, %swap3A_608, %swap3A_609] : memref<1x2048x64xf32, #tpu.memory_space<vmem>>, vector<1x1x64xf32>
    %swap3A_611 = vector.shape_cast %swap3A_610 : vector<1x1x64xf32> to vector<1x64xf32>
    %swap3A_612 = vector.shape_cast %get3A_606 : vector<1x64xf32> to vector<1x1x64xf32>
    tpu.vector_store %arg5[%swap3A_607, %swap3A_608, %swap3A_609], %swap3A_612 {strides = array<i32>} : memref<1x2048x64xf32, #tpu.memory_space<vmem>>, vector<1x1x64xf32>,
    %get3A_613 = arith.index_cast %arg0 : i32 to index
    %get3A_614 = arith.constant 11 : index
    %get3A_615 = memref.load %arg1[%get3A_613, %get3A_614] : memref<24x128xi32, #tpu.memory_space<smem>>
    %get3A_616 = arith.constant 11 : index
    %get3A_617 = arith.constant 0 : index
    %get3A_618 = vector.load %arg7[%get3A_616, %get3A_617] : memref<40x64xf32, #tpu.memory_space<vmem>>, vector<1x64xf32>
    %swap3A_619 = arith.constant 0 : index
    %swap3A_620 = arith.index_cast %get3A_615 : i32 to index
    %swap3A_621 = arith.constant 0 : index
    %swap3A_622 = vector.load %arg5[%swap3A_619, %swap3A_620, %swap3A_621] : memref<1x2048x64xf32, #tpu.memory_space<vmem>>, vector<1x1x64xf32>
    %swap3A_623 = vector.shape_cast %swap3A_622 : vector<1x1x64xf32> to vector<1x64xf32>
    %swap3A_624 = vector.shape_cast %get3A_618 : vector<1x64xf32> to vector<1x1x64xf32>
    tpu.vector_store %arg5[%swap3A_619, %swap3A_620, %swap3A_621], %swap3A_624 {strides = array<i32>} : memref<1x2048x64xf32, #tpu.memory_space<vmem>>, vector<1x1x64xf32>,
    %get3A_625 = arith.index_cast %arg0 : i32 to index
    %get3A_626 = arith.constant 12 : index
    %get3A_627 = memref.load %arg1[%get3A_625, %get3A_626] : memref<24x128xi32, #tpu.memory_space<smem>>
    %get3A_628 = arith.constant 12 : index
    %get3A_629 = arith.constant 0 : index
    %get3A_630 = vector.load %arg7[%get3A_628, %get3A_629] : memref<40x64xf32, #tpu.memory_space<vmem>>, vector<1x64xf32>
    %swap3A_631 = arith.constant 0 : index
    %swap3A_632 = arith.index_cast %get3A_627 : i32 to index
    %swap3A_633 = arith.constant 0 : index
    %swap3A_634 = vector.load %arg5[%swap3A_631, %swap3A_632, %swap3A_633] : memref<1x2048x64xf32, #tpu.memory_space<vmem>>, vector<1x1x64xf32>
    %swap3A_635 = vector.shape_cast %swap3A_634 : vector<1x1x64xf32> to vector<1x64xf32>
    %swap3A_636 = vector.shape_cast %get3A_630 : vector<1x64xf32> to vector<1x1x64xf32>
    tpu.vector_store %arg5[%swap3A_631, %swap3A_632, %swap3A_633], %swap3A_636 {strides = array<i32>} : memref<1x2048x64xf32, #tpu.memory_space<vmem>>, vector<1x1x64xf32>,
    %get3A_637 = arith.index_cast %arg0 : i32 to index
    %get3A_638 = arith.constant 13 : index
    %get3A_639 = memref.load %arg1[%get3A_637, %get3A_638] : memref<24x128xi32, #tpu.memory_space<smem>>
    %get3A_640 = arith.constant 13 : index
    %get3A_641 = arith.constant 0 : index
    %get3A_642 = vector.load %arg7[%get3A_640, %get3A_641] : memref<40x64xf32, #tpu.memory_space<vmem>>, vector<1x64xf32>
    %swap3A_643 = arith.constant 0 : index
    %swap3A_644 = arith.index_cast %get3A_639 : i32 to index
    %swap3A_645 = arith.constant 0 : index
    %swap3A_646 = vector.load %arg5[%swap3A_643, %swap3A_644, %swap3A_645] : memref<1x2048x64xf32, #tpu.memory_space<vmem>>, vector<1x1x64xf32>
    %swap3A_647 = vector.shape_cast %swap3A_646 : vector<1x1x64xf32> to vector<1x64xf32>
    %swap3A_648 = vector.shape_cast %get3A_642 : vector<1x64xf32> to vector<1x1x64xf32>
    tpu.vector_store %arg5[%swap3A_643, %swap3A_644, %swap3A_645], %swap3A_648 {strides = array<i32>} : memref<1x2048x64xf32, #tpu.memory_space<vmem>>, vector<1x1x64xf32>,
    %get3A_649 = arith.index_cast %arg0 : i32 to index
    %get3A_650 = arith.constant 14 : index
    %get3A_651 = memref.load %arg1[%get3A_649, %get3A_650] : memref<24x128xi32, #tpu.memory_space<smem>>
    %get3A_652 = arith.constant 14 : index
    %get3A_653 = arith.constant 0 : index
    %get3A_654 = vector.load %arg7[%get3A_652, %get3A_653] : memref<40x64xf32, #tpu.memory_space<vmem>>, vector<1x64xf32>
    %swap3A_655 = arith.constant 0 : index
    %swap3A_656 = arith.index_cast %get3A_651 : i32 to index
    %swap3A_657 = arith.constant 0 : index
    %swap3A_658 = vector.load %arg5[%swap3A_655, %swap3A_656, %swap3A_657] : memref<1x2048x64xf32, #tpu.memory_space<vmem>>, vector<1x1x64xf32>
    %swap3A_659 = vector.shape_cast %swap3A_658 : vector<1x1x64xf32> to vector<1x64xf32>
    %swap3A_660 = vector.shape_cast %get3A_654 : vector<1x64xf32> to vector<1x1x64xf32>
    tpu.vector_store %arg5[%swap3A_655, %swap3A_656, %swap3A_657], %swap3A_660 {strides = array<i32>} : memref<1x2048x64xf32, #tpu.memory_space<vmem>>, vector<1x1x64xf32>,
    %get3A_661 = arith.index_cast %arg0 : i32 to index
    %get3A_662 = arith.constant 15 : index
    %get3A_663 = memref.load %arg1[%get3A_661, %get3A_662] : memref<24x128xi32, #tpu.memory_space<smem>>
    %get3A_664 = arith.constant 15 : index
    %get3A_665 = arith.constant 0 : index
    %get3A_666 = vector.load %arg7[%get3A_664, %get3A_665] : memref<40x64xf32, #tpu.memory_space<vmem>>, vector<1x64xf32>
    %swap3A_667 = arith.constant 0 : index
    %swap3A_668 = arith.index_cast %get3A_663 : i32 to index
    %swap3A_669 = arith.constant 0 : index
    %swap3A_670 = vector.load %arg5[%swap3A_667, %swap3A_668, %swap3A_669] : memref<1x2048x64xf32, #tpu.memory_space<vmem>>, vector<1x1x64xf32>
    %swap3A_671 = vector.shape_cast %swap3A_670 : vector<1x1x64xf32> to vector<1x64xf32>
    %swap3A_672 = vector.shape_cast %get3A_666 : vector<1x64xf32> to vector<1x1x64xf32>
    tpu.vector_store %arg5[%swap3A_667, %swap3A_668, %swap3A_669], %swap3A_672 {strides = array<i32>} : memref<1x2048x64xf32, #tpu.memory_space<vmem>>, vector<1x1x64xf32>,
    %get3A_673 = arith.index_cast %arg0 : i32 to index
    %get3A_674 = arith.constant 16 : index
    %get3A_675 = memref.load %arg1[%get3A_673, %get3A_674] : memref<24x128xi32, #tpu.memory_space<smem>>
    %get3A_676 = arith.constant 16 : index
    %get3A_677 = arith.constant 0 : index
    %get3A_678 = vector.load %arg7[%get3A_676, %get3A_677] : memref<40x64xf32, #tpu.memory_space<vmem>>, vector<1x64xf32>
    %swap3A_679 = arith.constant 0 : index
    %swap3A_680 = arith.index_cast %get3A_675 : i32 to index
    %swap3A_681 = arith.constant 0 : index
    %swap3A_682 = vector.load %arg5[%swap3A_679, %swap3A_680, %swap3A_681] : memref<1x2048x64xf32, #tpu.memory_space<vmem>>, vector<1x1x64xf32>
    %swap3A_683 = vector.shape_cast %swap3A_682 : vector<1x1x64xf32> to vector<1x64xf32>
    %swap3A_684 = vector.shape_cast %get3A_678 : vector<1x64xf32> to vector<1x1x64xf32>
    tpu.vector_store %arg5[%swap3A_679, %swap3A_680, %swap3A_681], %swap3A_684 {strides = array<i32>} : memref<1x2048x64xf32, #tpu.memory_space<vmem>>, vector<1x1x64xf32>,
    %get3A_685 = arith.index_cast %arg0 : i32 to index
    %get3A_686 = arith.constant 17 : index
    %get3A_687 = memref.load %arg1[%get3A_685, %get3A_686] : memref<24x128xi32, #tpu.memory_space<smem>>
    %get3A_688 = arith.constant 17 : index
    %get3A_689 = arith.constant 0 : index
    %get3A_690 = vector.load %arg7[%get3A_688, %get3A_689] : memref<40x64xf32, #tpu.memory_space<vmem>>, vector<1x64xf32>
    %swap3A_691 = arith.constant 0 : index
    %swap3A_692 = arith.index_cast %get3A_687 : i32 to index
    %swap3A_693 = arith.constant 0 : index
    %swap3A_694 = vector.load %arg5[%swap3A_691, %swap3A_692, %swap3A_693] : memref<1x2048x64xf32, #tpu.memory_space<vmem>>, vector<1x1x64xf32>
    %swap3A_695 = vector.shape_cast %swap3A_694 : vector<1x1x64xf32> to vector<1x64xf32>
    %swap3A_696 = vector.shape_cast %get3A_690 : vector<1x64xf32> to vector<1x1x64xf32>
    tpu.vector_store %arg5[%swap3A_691, %swap3A_692, %swap3A_693], %swap3A_696 {strides = array<i32>} : memref<1x2048x64xf32, #tpu.memory_space<vmem>>, vector<1x1x64xf32>,
    %get3A_697 = arith.index_cast %arg0 : i32 to index
    %get3A_698 = arith.constant 18 : index
    %get3A_699 = memref.load %arg1[%get3A_697, %get3A_698] : memref<24x128xi32, #tpu.memory_space<smem>>
    %get3A_700 = arith.constant 18 : index
    %get3A_701 = arith.constant 0 : index
    %get3A_702 = vector.load %arg7[%get3A_700, %get3A_701] : memref<40x64xf32, #tpu.memory_space<vmem>>, vector<1x64xf32>
    %swap3A_703 = arith.constant 0 : index
    %swap3A_704 = arith.index_cast %get3A_699 : i32 to index
    %swap3A_705 = arith.constant 0 : index
    %swap3A_706 = vector.load %arg5[%swap3A_703, %swap3A_704, %swap3A_705] : memref<1x2048x64xf32, #tpu.memory_space<vmem>>, vector<1x1x64xf32>
    %swap3A_707 = vector.shape_cast %swap3A_706 : vector<1x1x64xf32> to vector<1x64xf32>
    %swap3A_708 = vector.shape_cast %get3A_702 : vector<1x64xf32> to vector<1x1x64xf32>
    tpu.vector_store %arg5[%swap3A_703, %swap3A_704, %swap3A_705], %swap3A_708 {strides = array<i32>} : memref<1x2048x64xf32, #tpu.memory_space<vmem>>, vector<1x1x64xf32>,
    %get3A_709 = arith.index_cast %arg0 : i32 to index
    %get3A_710 = arith.constant 19 : index
    %get3A_711 = memref.load %arg1[%get3A_709, %get3A_710] : memref<24x128xi32, #tpu.memory_space<smem>>
    %get3A_712 = arith.constant 19 : index
    %get3A_713 = arith.constant 0 : index
    %get3A_714 = vector.load %arg7[%get3A_712, %get3A_713] : memref<40x64xf32, #tpu.memory_space<vmem>>, vector<1x64xf32>
    %swap3A_715 = arith.constant 0 : index
    %swap3A_716 = arith.index_cast %get3A_711 : i32 to index
    %swap3A_717 = arith.constant 0 : index
    %swap3A_718 = vector.load %arg5[%swap3A_715, %swap3A_716, %swap3A_717] : memref<1x2048x64xf32, #tpu.memory_space<vmem>>, vector<1x1x64xf32>
    %swap3A_719 = vector.shape_cast %swap3A_718 : vector<1x1x64xf32> to vector<1x64xf32>
    %swap3A_720 = vector.shape_cast %get3A_714 : vector<1x64xf32> to vector<1x1x64xf32>
    tpu.vector_store %arg5[%swap3A_715, %swap3A_716, %swap3A_717], %swap3A_720 {strides = array<i32>} : memref<1x2048x64xf32, #tpu.memory_space<vmem>>, vector<1x1x64xf32>,
    %get3A_721 = arith.index_cast %arg0 : i32 to index
    %get3A_722 = arith.constant 20 : index
    %get3A_723 = memref.load %arg1[%get3A_721, %get3A_722] : memref<24x128xi32, #tpu.memory_space<smem>>
    %get3A_724 = arith.constant 20 : index
    %get3A_725 = arith.constant 0 : index
    %get3A_726 = vector.load %arg7[%get3A_724, %get3A_725] : memref<40x64xf32, #tpu.memory_space<vmem>>, vector<1x64xf32>
    %swap3A_727 = arith.constant 0 : index
    %swap3A_728 = arith.index_cast %get3A_723 : i32 to index
    %swap3A_729 = arith.constant 0 : index
    %swap3A_730 = vector.load %arg5[%swap3A_727, %swap3A_728, %swap3A_729] : memref<1x2048x64xf32, #tpu.memory_space<vmem>>, vector<1x1x64xf32>
    %swap3A_731 = vector.shape_cast %swap3A_730 : vector<1x1x64xf32> to vector<1x64xf32>
    %swap3A_732 = vector.shape_cast %get3A_726 : vector<1x64xf32> to vector<1x1x64xf32>
    tpu.vector_store %arg5[%swap3A_727, %swap3A_728, %swap3A_729], %swap3A_732 {strides = array<i32>} : memref<1x2048x64xf32, #tpu.memory_space<vmem>>, vector<1x1x64xf32>,
    %get3A_733 = arith.index_cast %arg0 : i32 to index
    %get3A_734 = arith.constant 21 : index
    %get3A_735 = memref.load %arg1[%get3A_733, %get3A_734] : memref<24x128xi32, #tpu.memory_space<smem>>
    %get3A_736 = arith.constant 21 : index
    %get3A_737 = arith.constant 0 : index
    %get3A_738 = vector.load %arg7[%get3A_736, %get3A_737] : memref<40x64xf32, #tpu.memory_space<vmem>>, vector<1x64xf32>
    %swap3A_739 = arith.constant 0 : index
    %swap3A_740 = arith.index_cast %get3A_735 : i32 to index
    %swap3A_741 = arith.constant 0 : index
    %swap3A_742 = vector.load %arg5[%swap3A_739, %swap3A_740, %swap3A_741] : memref<1x2048x64xf32, #tpu.memory_space<vmem>>, vector<1x1x64xf32>
    %swap3A_743 = vector.shape_cast %swap3A_742 : vector<1x1x64xf32> to vector<1x64xf32>
    %swap3A_744 = vector.shape_cast %get3A_738 : vector<1x64xf32> to vector<1x1x64xf32>
    tpu.vector_store %arg5[%swap3A_739, %swap3A_740, %swap3A_741], %swap3A_744 {strides = array<i32>} : memref<1x2048x64xf32, #tpu.memory_space<vmem>>, vector<1x1x64xf32>,
    %get3A_745 = arith.index_cast %arg0 : i32 to index
    %get3A_746 = arith.constant 22 : index
    %get3A_747 = memref.load %arg1[%get3A_745, %get3A_746] : memref<24x128xi32, #tpu.memory_space<smem>>
    %get3A_748 = arith.constant 22 : index
    %get3A_749 = arith.constant 0 : index
    %get3A_750 = vector.load %arg7[%get3A_748, %get3A_749] : memref<40x64xf32, #tpu.memory_space<vmem>>, vector<1x64xf32>
    %swap3A_751 = arith.constant 0 : index
    %swap3A_752 = arith.index_cast %get3A_747 : i32 to index
    %swap3A_753 = arith.constant 0 : index
    %swap3A_754 = vector.load %arg5[%swap3A_751, %swap3A_752, %swap3A_753] : memref<1x2048x64xf32, #tpu.memory_space<vmem>>, vector<1x1x64xf32>
    %swap3A_755 = vector.shape_cast %swap3A_754 : vector<1x1x64xf32> to vector<1x64xf32>
    %swap3A_756 = vector.shape_cast %get3A_750 : vector<1x64xf32> to vector<1x1x64xf32>
    tpu.vector_store %arg5[%swap3A_751, %swap3A_752, %swap3A_753], %swap3A_756 {strides = array<i32>} : memref<1x2048x64xf32, #tpu.memory_space<vmem>>, vector<1x1x64xf32>,
    %get3A_757 = arith.index_cast %arg0 : i32 to index
    %get3A_758 = arith.constant 23 : index
    %get3A_759 = memref.load %arg1[%get3A_757, %get3A_758] : memref<24x128xi32, #tpu.memory_space<smem>>
    %get3A_760 = arith.constant 23 : index
    %get3A_761 = arith.constant 0 : index
    %get3A_762 = vector.load %arg7[%get3A_760, %get3A_761] : memref<40x64xf32, #tpu.memory_space<vmem>>, vector<1x64xf32>
    %swap3A_763 = arith.constant 0 : index
    %swap3A_764 = arith.index_cast %get3A_759 : i32 to index
    %swap3A_765 = arith.constant 0 : index
    %swap3A_766 = vector.load %arg5[%swap3A_763, %swap3A_764, %swap3A_765] : memref<1x2048x64xf32, #tpu.memory_space<vmem>>, vector<1x1x64xf32>
    %swap3A_767 = vector.shape_cast %swap3A_766 : vector<1x1x64xf32> to vector<1x64xf32>
    %swap3A_768 = vector.shape_cast %get3A_762 : vector<1x64xf32> to vector<1x1x64xf32>
    tpu.vector_store %arg5[%swap3A_763, %swap3A_764, %swap3A_765], %swap3A_768 {strides = array<i32>} : memref<1x2048x64xf32, #tpu.memory_space<vmem>>, vector<1x1x64xf32>,
    %get3A_769 = arith.index_cast %arg0 : i32 to index
    %get3A_770 = arith.constant 24 : index
    %get3A_771 = memref.load %arg1[%get3A_769, %get3A_770] : memref<24x128xi32, #tpu.memory_space<smem>>
    %get3A_772 = arith.constant 24 : index
    %get3A_773 = arith.constant 0 : index
    %get3A_774 = vector.load %arg7[%get3A_772, %get3A_773] : memref<40x64xf32, #tpu.memory_space<vmem>>, vector<1x64xf32>
    %swap3A_775 = arith.constant 0 : index
    %swap3A_776 = arith.index_cast %get3A_771 : i32 to index
    %swap3A_777 = arith.constant 0 : index
    %swap3A_778 = vector.load %arg5[%swap3A_775, %swap3A_776, %swap3A_777] : memref<1x2048x64xf32, #tpu.memory_space<vmem>>, vector<1x1x64xf32>
    %swap3A_779 = vector.shape_cast %swap3A_778 : vector<1x1x64xf32> to vector<1x64xf32>
    %swap3A_780 = vector.shape_cast %get3A_774 : vector<1x64xf32> to vector<1x1x64xf32>
    tpu.vector_store %arg5[%swap3A_775, %swap3A_776, %swap3A_777], %swap3A_780 {strides = array<i32>} : memref<1x2048x64xf32, #tpu.memory_space<vmem>>, vector<1x1x64xf32>,
    %get3A_781 = arith.index_cast %arg0 : i32 to index
    %get3A_782 = arith.constant 25 : index
    %get3A_783 = memref.load %arg1[%get3A_781, %get3A_782] : memref<24x128xi32, #tpu.memory_space<smem>>
    %get3A_784 = arith.constant 25 : index
    %get3A_785 = arith.constant 0 : index
    %get3A_786 = vector.load %arg7[%get3A_784, %get3A_785] : memref<40x64xf32, #tpu.memory_space<vmem>>, vector<1x64xf32>
    %swap3A_787 = arith.constant 0 : index
    %swap3A_788 = arith.index_cast %get3A_783 : i32 to index
    %swap3A_789 = arith.constant 0 : index
    %swap3A_790 = vector.load %arg5[%swap3A_787, %swap3A_788, %swap3A_789] : memref<1x2048x64xf32, #tpu.memory_space<vmem>>, vector<1x1x64xf32>
    %swap3A_791 = vector.shape_cast %swap3A_790 : vector<1x1x64xf32> to vector<1x64xf32>
    %swap3A_792 = vector.shape_cast %get3A_786 : vector<1x64xf32> to vector<1x1x64xf32>
    tpu.vector_store %arg5[%swap3A_787, %swap3A_788, %swap3A_789], %swap3A_792 {strides = array<i32>} : memref<1x2048x64xf32, #tpu.memory_space<vmem>>, vector<1x1x64xf32>,
    %get3A_793 = arith.index_cast %arg0 : i32 to index
    %get3A_794 = arith.constant 26 : index
    %get3A_795 = memref.load %arg1[%get3A_793, %get3A_794] : memref<24x128xi32, #tpu.memory_space<smem>>
    %get3A_796 = arith.constant 26 : index
    %get3A_797 = arith.constant 0 : index
    %get3A_798 = vector.load %arg7[%get3A_796, %get3A_797] : memref<40x64xf32, #tpu.memory_space<vmem>>, vector<1x64xf32>
    %swap3A_799 = arith.constant 0 : index
    %swap3A_800 = arith.index_cast %get3A_795 : i32 to index
    %swap3A_801 = arith.constant 0 : index
    %swap3A_802 = vector.load %arg5[%swap3A_799, %swap3A_800, %swap3A_801] : memref<1x2048x64xf32, #tpu.memory_space<vmem>>, vector<1x1x64xf32>
    %swap3A_803 = vector.shape_cast %swap3A_802 : vector<1x1x64xf32> to vector<1x64xf32>
    %swap3A_804 = vector.shape_cast %get3A_798 : vector<1x64xf32> to vector<1x1x64xf32>
    tpu.vector_store %arg5[%swap3A_799, %swap3A_800, %swap3A_801], %swap3A_804 {strides = array<i32>} : memref<1x2048x64xf32, #tpu.memory_space<vmem>>, vector<1x1x64xf32>,
    %get3A_805 = arith.index_cast %arg0 : i32 to index
    %get3A_806 = arith.constant 27 : index
    %get3A_807 = memref.load %arg1[%get3A_805, %get3A_806] : memref<24x128xi32, #tpu.memory_space<smem>>
    %get3A_808 = arith.constant 27 : index
    %get3A_809 = arith.constant 0 : index
    %get3A_810 = vector.load %arg7[%get3A_808, %get3A_809] : memref<40x64xf32, #tpu.memory_space<vmem>>, vector<1x64xf32>
    %swap3A_811 = arith.constant 0 : index
    %swap3A_812 = arith.index_cast %get3A_807 : i32 to index
    %swap3A_813 = arith.constant 0 : index
    %swap3A_814 = vector.load %arg5[%swap3A_811, %swap3A_812, %swap3A_813] : memref<1x2048x64xf32, #tpu.memory_space<vmem>>, vector<1x1x64xf32>
    %swap3A_815 = vector.shape_cast %swap3A_814 : vector<1x1x64xf32> to vector<1x64xf32>
    %swap3A_816 = vector.shape_cast %get3A_810 : vector<1x64xf32> to vector<1x1x64xf32>
    tpu.vector_store %arg5[%swap3A_811, %swap3A_812, %swap3A_813], %swap3A_816 {strides = array<i32>} : memref<1x2048x64xf32, #tpu.memory_space<vmem>>, vector<1x1x64xf32>,
    %get3A_817 = arith.index_cast %arg0 : i32 to index
    %get3A_818 = arith.constant 28 : index
    %get3A_819 = memref.load %arg1[%get3A_817, %get3A_818] : memref<24x128xi32, #tpu.memory_space<smem>>
    %get3A_820 = arith.constant 28 : index
    %get3A_821 = arith.constant 0 : index
    %get3A_822 = vector.load %arg7[%get3A_820, %get3A_821] : memref<40x64xf32, #tpu.memory_space<vmem>>, vector<1x64xf32>
    %swap3A_823 = arith.constant 0 : index
    %swap3A_824 = arith.index_cast %get3A_819 : i32 to index
    %swap3A_825 = arith.constant 0 : index
    %swap3A_826 = vector.load %arg5[%swap3A_823, %swap3A_824, %swap3A_825] : memref<1x2048x64xf32, #tpu.memory_space<vmem>>, vector<1x1x64xf32>
    %swap3A_827 = vector.shape_cast %swap3A_826 : vector<1x1x64xf32> to vector<1x64xf32>
    %swap3A_828 = vector.shape_cast %get3A_822 : vector<1x64xf32> to vector<1x1x64xf32>
    tpu.vector_store %arg5[%swap3A_823, %swap3A_824, %swap3A_825], %swap3A_828 {strides = array<i32>} : memref<1x2048x64xf32, #tpu.memory_space<vmem>>, vector<1x1x64xf32>,
    %get3A_829 = arith.index_cast %arg0 : i32 to index
    %get3A_830 = arith.constant 29 : index
    %get3A_831 = memref.load %arg1[%get3A_829, %get3A_830] : memref<24x128xi32, #tpu.memory_space<smem>>
    %get3A_832 = arith.constant 29 : index
    %get3A_833 = arith.constant 0 : index
    %get3A_834 = vector.load %arg7[%get3A_832, %get3A_833] : memref<40x64xf32, #tpu.memory_space<vmem>>, vector<1x64xf32>
    %swap3A_835 = arith.constant 0 : index
    %swap3A_836 = arith.index_cast %get3A_831 : i32 to index
    %swap3A_837 = arith.constant 0 : index
    %swap3A_838 = vector.load %arg5[%swap3A_835, %swap3A_836, %swap3A_837] : memref<1x2048x64xf32, #tpu.memory_space<vmem>>, vector<1x1x64xf32>
    %swap3A_839 = vector.shape_cast %swap3A_838 : vector<1x1x64xf32> to vector<1x64xf32>
    %swap3A_840 = vector.shape_cast %get3A_834 : vector<1x64xf32> to vector<1x1x64xf32>
    tpu.vector_store %arg5[%swap3A_835, %swap3A_836, %swap3A_837], %swap3A_840 {strides = array<i32>} : memref<1x2048x64xf32, #tpu.memory_space<vmem>>, vector<1x1x64xf32>,
    %get3A_841 = arith.index_cast %arg0 : i32 to index
    %get3A_842 = arith.constant 30 : index
    %get3A_843 = memref.load %arg1[%get3A_841, %get3A_842] : memref<24x128xi32, #tpu.memory_space<smem>>
    %get3A_844 = arith.constant 30 : index
    %get3A_845 = arith.constant 0 : index
    %get3A_846 = vector.load %arg7[%get3A_844, %get3A_845] : memref<40x64xf32, #tpu.memory_space<vmem>>, vector<1x64xf32>
    %swap3A_847 = arith.constant 0 : index
    %swap3A_848 = arith.index_cast %get3A_843 : i32 to index
    %swap3A_849 = arith.constant 0 : index
    %swap3A_850 = vector.load %arg5[%swap3A_847, %swap3A_848, %swap3A_849] : memref<1x2048x64xf32, #tpu.memory_space<vmem>>, vector<1x1x64xf32>
    %swap3A_851 = vector.shape_cast %swap3A_850 : vector<1x1x64xf32> to vector<1x64xf32>
    %swap3A_852 = vector.shape_cast %get3A_846 : vector<1x64xf32> to vector<1x1x64xf32>
    tpu.vector_store %arg5[%swap3A_847, %swap3A_848, %swap3A_849], %swap3A_852 {strides = array<i32>} : memref<1x2048x64xf32, #tpu.memory_space<vmem>>, vector<1x1x64xf32>,
    %get3A_853 = arith.index_cast %arg0 : i32 to index
    %get3A_854 = arith.constant 31 : index
    %get3A_855 = memref.load %arg1[%get3A_853, %get3A_854] : memref<24x128xi32, #tpu.memory_space<smem>>
    %get3A_856 = arith.constant 31 : index
    %get3A_857 = arith.constant 0 : index
    %get3A_858 = vector.load %arg7[%get3A_856, %get3A_857] : memref<40x64xf32, #tpu.memory_space<vmem>>, vector<1x64xf32>
    %swap3A_859 = arith.constant 0 : index
    %swap3A_860 = arith.index_cast %get3A_855 : i32 to index
    %swap3A_861 = arith.constant 0 : index
    %swap3A_862 = vector.load %arg5[%swap3A_859, %swap3A_860, %swap3A_861] : memref<1x2048x64xf32, #tpu.memory_space<vmem>>, vector<1x1x64xf32>
    %swap3A_863 = vector.shape_cast %swap3A_862 : vector<1x1x64xf32> to vector<1x64xf32>
    %swap3A_864 = vector.shape_cast %get3A_858 : vector<1x64xf32> to vector<1x1x64xf32>
    tpu.vector_store %arg5[%swap3A_859, %swap3A_860, %swap3A_861], %swap3A_864 {strides = array<i32>} : memref<1x2048x64xf32, #tpu.memory_space<vmem>>, vector<1x1x64xf32>,
    %get3A_865 = arith.index_cast %arg0 : i32 to index
    %get3A_866 = arith.constant 32 : index
    %get3A_867 = memref.load %arg1[%get3A_865, %get3A_866] : memref<24x128xi32, #tpu.memory_space<smem>>
    %get3A_868 = arith.constant 32 : index
    %get3A_869 = arith.constant 0 : index
    %get3A_870 = vector.load %arg7[%get3A_868, %get3A_869] : memref<40x64xf32, #tpu.memory_space<vmem>>, vector<1x64xf32>
    %swap3A_871 = arith.constant 0 : index
    %swap3A_872 = arith.index_cast %get3A_867 : i32 to index
    %swap3A_873 = arith.constant 0 : index
    %swap3A_874 = vector.load %arg5[%swap3A_871, %swap3A_872, %swap3A_873] : memref<1x2048x64xf32, #tpu.memory_space<vmem>>, vector<1x1x64xf32>
    %swap3A_875 = vector.shape_cast %swap3A_874 : vector<1x1x64xf32> to vector<1x64xf32>
    %swap3A_876 = vector.shape_cast %get3A_870 : vector<1x64xf32> to vector<1x1x64xf32>
    tpu.vector_store %arg5[%swap3A_871, %swap3A_872, %swap3A_873], %swap3A_876 {strides = array<i32>} : memref<1x2048x64xf32, #tpu.memory_space<vmem>>, vector<1x1x64xf32>,
    %get3A_877 = arith.index_cast %arg0 : i32 to index
    %get3A_878 = arith.constant 33 : index
    %get3A_879 = memref.load %arg1[%get3A_877, %get3A_878] : memref<24x128xi32, #tpu.memory_space<smem>>
    %get3A_880 = arith.constant 33 : index
    %get3A_881 = arith.constant 0 : index
    %get3A_882 = vector.load %arg7[%get3A_880, %get3A_881] : memref<40x64xf32, #tpu.memory_space<vmem>>, vector<1x64xf32>
    %swap3A_883 = arith.constant 0 : index
    %swap3A_884 = arith.index_cast %get3A_879 : i32 to index
    %swap3A_885 = arith.constant 0 : index
    %swap3A_886 = vector.load %arg5[%swap3A_883, %swap3A_884, %swap3A_885] : memref<1x2048x64xf32, #tpu.memory_space<vmem>>, vector<1x1x64xf32>
    %swap3A_887 = vector.shape_cast %swap3A_886 : vector<1x1x64xf32> to vector<1x64xf32>
    %swap3A_888 = vector.shape_cast %get3A_882 : vector<1x64xf32> to vector<1x1x64xf32>
    tpu.vector_store %arg5[%swap3A_883, %swap3A_884, %swap3A_885], %swap3A_888 {strides = array<i32>} : memref<1x2048x64xf32, #tpu.memory_space<vmem>>, vector<1x1x64xf32>,
    %get3A_889 = arith.index_cast %arg0 : i32 to index
    %get3A_890 = arith.constant 34 : index
    %get3A_891 = memref.load %arg1[%get3A_889, %get3A_890] : memref<24x128xi32, #tpu.memory_space<smem>>
    %get3A_892 = arith.constant 34 : index
    %get3A_893 = arith.constant 0 : index
    %get3A_894 = vector.load %arg7[%get3A_892, %get3A_893] : memref<40x64xf32, #tpu.memory_space<vmem>>, vector<1x64xf32>
    %swap3A_895 = arith.constant 0 : index
    %swap3A_896 = arith.index_cast %get3A_891 : i32 to index
    %swap3A_897 = arith.constant 0 : index
    %swap3A_898 = vector.load %arg5[%swap3A_895, %swap3A_896, %swap3A_897] : memref<1x2048x64xf32, #tpu.memory_space<vmem>>, vector<1x1x64xf32>
    %swap3A_899 = vector.shape_cast %swap3A_898 : vector<1x1x64xf32> to vector<1x64xf32>
    %swap3A_900 = vector.shape_cast %get3A_894 : vector<1x64xf32> to vector<1x1x64xf32>
    tpu.vector_store %arg5[%swap3A_895, %swap3A_896, %swap3A_897], %swap3A_900 {strides = array<i32>} : memref<1x2048x64xf32, #tpu.memory_space<vmem>>, vector<1x1x64xf32>,
    %get3A_901 = arith.index_cast %arg0 : i32 to index
    %get3A_902 = arith.constant 35 : index
    %get3A_903 = memref.load %arg1[%get3A_901, %get3A_902] : memref<24x128xi32, #tpu.memory_space<smem>>
    %get3A_904 = arith.constant 35 : index
    %get3A_905 = arith.constant 0 : index
    %get3A_906 = vector.load %arg7[%get3A_904, %get3A_905] : memref<40x64xf32, #tpu.memory_space<vmem>>, vector<1x64xf32>
    %swap3A_907 = arith.constant 0 : index
    %swap3A_908 = arith.index_cast %get3A_903 : i32 to index
    %swap3A_909 = arith.constant 0 : index
    %swap3A_910 = vector.load %arg5[%swap3A_907, %swap3A_908, %swap3A_909] : memref<1x2048x64xf32, #tpu.memory_space<vmem>>, vector<1x1x64xf32>
    %swap3A_911 = vector.shape_cast %swap3A_910 : vector<1x1x64xf32> to vector<1x64xf32>
    %swap3A_912 = vector.shape_cast %get3A_906 : vector<1x64xf32> to vector<1x1x64xf32>
    tpu.vector_store %arg5[%swap3A_907, %swap3A_908, %swap3A_909], %swap3A_912 {strides = array<i32>} : memref<1x2048x64xf32, #tpu.memory_space<vmem>>, vector<1x1x64xf32>,
    %get3A_913 = arith.index_cast %arg0 : i32 to index
    %get3A_914 = arith.constant 36 : index
    %get3A_915 = memref.load %arg1[%get3A_913, %get3A_914] : memref<24x128xi32, #tpu.memory_space<smem>>
    %get3A_916 = arith.constant 36 : index
    %get3A_917 = arith.constant 0 : index
    %get3A_918 = vector.load %arg7[%get3A_916, %get3A_917] : memref<40x64xf32, #tpu.memory_space<vmem>>, vector<1x64xf32>
    %swap3A_919 = arith.constant 0 : index
    %swap3A_920 = arith.index_cast %get3A_915 : i32 to index
    %swap3A_921 = arith.constant 0 : index
    %swap3A_922 = vector.load %arg5[%swap3A_919, %swap3A_920, %swap3A_921] : memref<1x2048x64xf32, #tpu.memory_space<vmem>>, vector<1x1x64xf32>
    %swap3A_923 = vector.shape_cast %swap3A_922 : vector<1x1x64xf32> to vector<1x64xf32>
    %swap3A_924 = vector.shape_cast %get3A_918 : vector<1x64xf32> to vector<1x1x64xf32>
    tpu.vector_store %arg5[%swap3A_919, %swap3A_920, %swap3A_921], %swap3A_924 {strides = array<i32>} : memref<1x2048x64xf32, #tpu.memory_space<vmem>>, vector<1x1x64xf32>,
    %get3A_925 = arith.index_cast %arg0 : i32 to index
    %get3A_926 = arith.constant 37 : index
    %get3A_927 = memref.load %arg1[%get3A_925, %get3A_926] : memref<24x128xi32, #tpu.memory_space<smem>>
    %get3A_928 = arith.constant 37 : index
    %get3A_929 = arith.constant 0 : index
    %get3A_930 = vector.load %arg7[%get3A_928, %get3A_929] : memref<40x64xf32, #tpu.memory_space<vmem>>, vector<1x64xf32>
    %swap3A_931 = arith.constant 0 : index
    %swap3A_932 = arith.index_cast %get3A_927 : i32 to index
    %swap3A_933 = arith.constant 0 : index
    %swap3A_934 = vector.load %arg5[%swap3A_931, %swap3A_932, %swap3A_933] : memref<1x2048x64xf32, #tpu.memory_space<vmem>>, vector<1x1x64xf32>
    %swap3A_935 = vector.shape_cast %swap3A_934 : vector<1x1x64xf32> to vector<1x64xf32>
    %swap3A_936 = vector.shape_cast %get3A_930 : vector<1x64xf32> to vector<1x1x64xf32>
    tpu.vector_store %arg5[%swap3A_931, %swap3A_932, %swap3A_933], %swap3A_936 {strides = array<i32>} : memref<1x2048x64xf32, #tpu.memory_space<vmem>>, vector<1x1x64xf32>,
    %get3A_937 = arith.index_cast %arg0 : i32 to index
    %get3A_938 = arith.constant 38 : index
    %get3A_939 = memref.load %arg1[%get3A_937, %get3A_938] : memref<24x128xi32, #tpu.memory_space<smem>>
    %get3A_940 = arith.constant 38 : index
    %get3A_941 = arith.constant 0 : index
    %get3A_942 = vector.load %arg7[%get3A_940, %get3A_941] : memref<40x64xf32, #tpu.memory_space<vmem>>, vector<1x64xf32>
    %swap3A_943 = arith.constant 0 : index
    %swap3A_944 = arith.index_cast %get3A_939 : i32 to index
    %swap3A_945 = arith.constant 0 : index
    %swap3A_946 = vector.load %arg5[%swap3A_943, %swap3A_944, %swap3A_945] : memref<1x2048x64xf32, #tpu.memory_space<vmem>>, vector<1x1x64xf32>
    %swap3A_947 = vector.shape_cast %swap3A_946 : vector<1x1x64xf32> to vector<1x64xf32>
    %swap3A_948 = vector.shape_cast %get3A_942 : vector<1x64xf32> to vector<1x1x64xf32>
    tpu.vector_store %arg5[%swap3A_943, %swap3A_944, %swap3A_945], %swap3A_948 {strides = array<i32>} : memref<1x2048x64xf32, #tpu.memory_space<vmem>>, vector<1x1x64xf32>,
    %get3A_949 = arith.index_cast %arg0 : i32 to index
    %get3A_950 = arith.constant 39 : index
    %get3A_951 = memref.load %arg1[%get3A_949, %get3A_950] : memref<24x128xi32, #tpu.memory_space<smem>>
    %get3A_952 = arith.constant 39 : index
    %get3A_953 = arith.constant 0 : index
    %get3A_954 = vector.load %arg7[%get3A_952, %get3A_953] : memref<40x64xf32, #tpu.memory_space<vmem>>, vector<1x64xf32>
    %swap3A_955 = arith.constant 0 : index
    %swap3A_956 = arith.index_cast %get3A_951 : i32 to index
    %swap3A_957 = arith.constant 0 : index
    %swap3A_958 = vector.load %arg5[%swap3A_955, %swap3A_956, %swap3A_957] : memref<1x2048x64xf32, #tpu.memory_space<vmem>>, vector<1x1x64xf32>
    %swap3A_959 = vector.shape_cast %swap3A_958 : vector<1x1x64xf32> to vector<1x64xf32>
    %swap3A_960 = vector.shape_cast %get3A_954 : vector<1x64xf32> to vector<1x1x64xf32>
    tpu.vector_store %arg5[%swap3A_955, %swap3A_956, %swap3A_957], %swap3A_960 {strides = array<i32>} : memref<1x2048x64xf32, #tpu.memory_space<vmem>>, vector<1x1x64xf32>,
    return
  }
  func.func @transform_0(%arg0: i32) -> (i32, i32) {
    %c0_i32 = arith.constant 0 : i32
    %c0_i32_0 = arith.constant 0 : i32
    %c0_i32_1 = arith.constant 0 : i32
    return %c0_i32, %c0_i32_0 : i32, i32
  }
  func.func @transform_1(%arg0: i32) -> (i32, i32, i32) {
    %c0_i32 = arith.constant 0 : i32
    %c0_i32_0 = arith.constant 0 : i32
    %c0_i32_1 = arith.constant 0 : i32
    return %arg0, %c0_i32, %c0_i32_0 : i32, i32, i32
  }
  func.func @transform_2(%arg0: i32) -> (i32, i32, i32) {
    %c0_i32 = arith.constant 0 : i32
    %c0_i32_0 = arith.constant 0 : i32
    %c0_i32_1 = arith.constant 0 : i32
    return %arg0, %c0_i32, %c0_i32_0 : i32, i32, i32
  }
  func.func @transform_3(%arg0: i32) -> (i32, i32, i32) {
    %c0_i32 = arith.constant 0 : i32
    %c0_i32_0 = arith.constant 0 : i32
    %c0_i32_1 = arith.constant 0 : i32
    return %arg0, %c0_i32, %c0_i32_0 : i32, i32, i32
  }
  func.func @transform_4(%arg0: i32) -> (i32, i32, i32) {
    %c0_i32 = arith.constant 0 : i32
    %c0_i32_0 = arith.constant 0 : i32
    %c0_i32_1 = arith.constant 0 : i32
    return %arg0, %c0_i32, %c0_i32_0 : i32, i32, i32
  }
}

</mosaic_0001>

<sc_bundles>
// kernel: kernel.5.cloned.1.call-start
scs
__scs_entry_jumppad:
0x0: {  	(pc) =	sbr.rel $0x88, $3  }
0x1: {  	(tag) =	ssettag $0x0;
	lr =	simm.s32 $0x1  }
0x2: {  	[smem:$0x3F9E] =	sst lr;
	_ =	strace $0xD0000000  }
0x3: {  	_ = 	snop  }
0x4: {  	_ = 	snop  }
0x5: {  	_ = 	snop  }
0x6: {  	_ = 	snop  }
0x7: {  	_ = 	snop  }
__scs_overlays_trampoline_lowered:
0x8: {  	[smem:$0x3FAD] =	sst s0  }
0x9: {  	[smem:$0x3FAE] =	sst s1  }
0xa: {  	[smem:$0x3FAF] =	sst s2  }
0xb: {  	[smem:$0x3FB0] =	sst s3  }
0xc: {  	[smem:$0x3FB1] =	sst s4  }
0xd: {  	[smem:$0x3FB2] =	sst s5  }
0xe: {  	[smem:$0x3FB3] =	sst s6  }
0xf: {  	[smem:$0x3FB4] =	sst s7  }
0x10: {  	[smem:$0x3FB5] =	sst s8  }
0x11: {  	[smem:$0x3FB6] =	sst s9;
	s0 =	simm.s32 @!p0 $0x0  }
0x12: {  	s1 =	sld [smem:$0x3F9C];
	s0 =	simm.s32 @p0 $0x1  }
0x13: {  	[smem:$0x3FB7] =	sst s0;
	s0 =	simm.s32 @!p1 $0x0  }
0x14: {  	s2 =	sld [smem:$0x3F9B];
	s0 =	simm.s32 @p1 $0x1  }
0x15: {  	[smem:$0x3FB8] =	sst s0;
	s0 =	simm.s32 @!p2 $0x0  }
0x16: {  	s3 =	sld [smem:$0x3FDB];
	s0 =	simm.s32 @p2 $0x1  }
0x17: {  	s4 =	simm.s32 $0x1BF5;
	[smem:$0x3FBA] =	sst s0  }
0x18: {  	s0 =	sld [smem:$0x3F9D];
	_ =	swait.ge [sflag:s4], $0x0  }
0x19: {  	s7 =	sld [smem:$0x3F9E]  }
0x1a: {  	s8 =	sadd.s32 $0xFFFFE003, lr  }
0x1b: {  	s9 =	sadd.s32 $0xFFFFFEF7, lr;
	s5 =	simm.s32 $0xFFFFFFFF;
	p2 =	slt.u32 s8, $0xFFFFF086  }
0x1c: {  	p1 =	slt.u32 s9, $0xF7A;
	s5 =	simm.s32 @!p2 $0x0  }
0x1d: {  	s5 =	simm.s32 @p1 $0x1;
	p0 =	seq.s32 s7, s2  }
0x1e: {  	s7 =	smul.u32 @!p0 $0xF7A, s2;
	p2 =	seq.s32 @!p0 s5, $0x0  }
0x1f: {  	s9 =	smul.u32 $0xF7A, s1;
	s8 =	simm.s32 @!p0 $0x1BF5;
	p2 =	por !p2, p0  }
0x20: {  	[sflag:s8] =	ssyncset.s32 @!p0 $0xFFFFF086;
	s6 =	sadd.s32 @!p0 s3, s7;
	s7 =	simm.s32 @!p0 $0x108  }
0x21: {  	s3 =	sadd.s32 s3, s9;
	s6 =	sadd.s32 @!p0 $0x88, s6;
	s7 =	simm.s32 @p2 $0x1082  }
0x22: {  	[simem:s7], [sflag:s8] =	dma.local @!p0 [hbm:s6], $0xF7A  }
0x23: {  	s9 =	sor.u32 $0xD0000000, s2;
	s6 =	simm.s32 $0x108;
	_ =	swait.ge @!p0 [sflag:s8], $0x0  }
0x24: {  	s3 =	sadd.s32 $0x88, s3;
	s6 =	simm.s32 @!p1 $0x1082;
	[sflag:s4] =	ssyncset.s32 $0xFFFFF086  }
0x25: {  	[simem:s6], [sflag:s4] =	dma.local [hbm:s3], $0xF7A  }
0x26: {  	[smem:$0x3F9E] =	sst s1;
	(tag) =	ssettag s2;
	_ =	strace s9  }
0x27: {  	s1 =	sld [smem:$0x3FAE]  }
0x28: {  	s2 =	sld [smem:$0x3FAF]  }
0x29: {  	s4 =	sld [smem:$0x3FB1]  }
0x2a: {  	p0 =	seq.s32 s5, $0x0;
	s5 =	sld [smem:$0x3FB2]  }
0x2b: {  	s6 =	sld [smem:$0x3FB3]  }
0x2c: {  	s7 =	sld [smem:$0x3FB4]  }
0x2d: {  	s3 =	simm.s32 $0x108;
	s8 =	sld [smem:$0x3FB5]  }
0x2e: {  	s3 =	simm.s32 @!p0 $0x1082;
	s9 =	sld [smem:$0x3FB6]  }
0x2f: {  	lr =	sadd.s32 s0, s3;
	s0 =	sld [smem:$0x3FAD]  }
0x30: {  	s3 =	sld [smem:$0x3FB0]  }
0x31: {  	[smem:$0x3FB9] =	sst s10  }
0x32: {  	s10 =	sld [smem:$0x3FB7];
	_ =	sdelay $0x3  }
0x33: {  	p0 =	seq.s32 s10, $0x1;
	s10 =	sld [smem:$0x3FB9];
	_ =	sdelay $0x3  }
0x34: {  	[smem:$0x3FB9] =	sst s10  }
0x35: {  	s10 =	sld [smem:$0x3FB8];
	_ =	sdelay $0x3  }
0x36: {  	p1 =	seq.s32 s10, $0x1;
	s10 =	sld [smem:$0x3FB9];
	_ =	sdelay $0x3  }
0x37: {  	[smem:$0x3FB9] =	sst s10  }
0x38: {  	s10 =	sld [smem:$0x3FBA]  }
0x39: {  	_ = 	snop;
	(pc) =	sbr.ind lr, $3  }
0x3a: {  	_ = 	snop  }
0x3b: {  	_ = 	snop  }
0x3c: {  	p2 =	seq.s32 s10, $0x1;
	s10 =	sld [smem:$0x3FB9]  }
0x3d: {  	_ =	shalt  }
0x3e: {  	_ =	shalt  }
0x3f: {  	_ =	shalt  }
0x40: {  	_ =	shalt  }
0x41: {  	_ =	shalt  }
0x42: {  	_ =	shalt  }
0x43: {  	_ =	shalt  }
0x44: {  	_ =	shalt  }
0x45: {  	_ =	shalt  }
0x46: {  	_ =	shalt  }
0x47: {  	_ =	shalt  }
0x48: {  	_ =	shalt  }
0x49: {  	_ =	shalt  }
0x4a: {  	_ =	shalt  }
0x4b: {  	_ =	shalt  }
0x4c: {  	_ =	shalt  }
0x4d: {  	_ =	shalt  }
0x4e: {  	_ =	shalt  }
0x4f: {  	_ =	shalt  }
0x50: {  	_ =	shalt  }
0x51: {  	_ =	shalt  }
0x52: {  	_ =	shalt  }
0x53: {  	_ =	shalt  }
0x54: {  	_ =	shalt  }
0x55: {  	_ =	shalt  }
0x56: {  	_ =	shalt  }
0x57: {  	_ =	shalt  }
0x58: {  	_ =	shalt  }
0x59: {  	_ =	shalt  }
0x5a: {  	_ =	shalt  }
0x5b: {  	_ =	shalt  }
0x5c: {  	_ =	shalt  }
0x5d: {  	_ =	shalt  }
0x5e: {  	_ =	shalt  }
0x5f: {  	_ =	shalt  }
0x60: {  	_ =	shalt  }
0x61: {  	_ =	shalt  }
0x62: {  	_ =	shalt  }
0x63: {  	_ =	shalt  }
0x64: {  	_ =	shalt  }
0x65: {  	_ =	shalt  }
0x66: {  	_ =	shalt  }
0x67: {  	_ =	shalt  }
0x68: {  	_ =	shalt  }
0x69: {  	_ =	shalt  }
0x6a: {  	_ =	shalt  }
0x6b: {  	_ =	shalt  }
0x6c: {  	_ =	shalt  }
0x6d: {  	_ =	shalt  }
0x6e: {  	_ =	shalt  }
0x6f: {  	_ =	shalt  }
0x70: {  	_ =	shalt  }
0x71: {  	_ =	shalt  }
0x72: {  	_ =	shalt  }
0x73: {  	_ =	shalt  }
0x74: {  	_ =	shalt  }
0x75: {  	_ =	shalt  }
0x76: {  	_ =	shalt  }
0x77: {  	_ =	shalt  }
0x78: {  	_ =	shalt  }
0x79: {  	_ =	shalt  }
0x7a: {  	_ =	shalt  }
0x7b: {  	_ =	shalt  }
0x7c: {  	_ =	shalt  }
0x7d: {  	_ =	shalt  }
0x7e: {  	_ =	shalt  }
0x7f: {  	_ =	shalt  }
0x80: {  	_ =	shalt  }
0x81: {  	_ =	shalt  }
0x82: {  	_ =	shalt  }
0x83: {  	_ =	shalt  }
0x84: {  	_ =	shalt  }
0x85: {  	_ =	shalt  }
0x86: {  	_ =	shalt  }
0x87: {  	_ =	shalt  }
.Lfunc_end0:
.L_simem_size_0:
called_computation_lowered:
.L_overlay_start_0:
0x88: {  	s2 =	sld [smem:$0x3FD9]  }
0x89: {  	s3 =	sld [smem:$0x3FFE];
	_ =	sdelay $0x1  }
0x8a: {  	s1 =	srdreg.scid  }
0x8b: {  	s0 =	sand.u32 $0x1, s1  }
0x8c: {  	s17 =	sshll.u32 s0, $0xA;
	s2 =	sadd.s32 s3, s2  }
0x8d: {  	s2 =	sadd.s32 s2, s17  }
0x8e: {  	[smem:$0x3FC5] =	sst s2  }
0x8f: {  	_ = 	snop  }
0x90: {  	s2 =	sld [smem:$0x3FD0];
	(tm) =	ssettm $0x1  }
0x91: {  	s18 =	sld [smem:$0x3FFB];
	_ =	sdelay $0x3  }
0x92: {  	_ =	strace s18  }
0x93: {  	s3 =	sld [smem:$0x3FFC];
	_ =	sdelay $0x3  }
0x94: {  	_ =	strace s3  }
0x95: {  	s3 =	sld [smem:$0x3FFD];
	_ =	sdelay $0x3  }
0x96: {  	_ =	strace s3  }
0x97: {  	_ =	strace $0x8FFFFFFF  }
0x98: {  	s19 =	sld [smem:$0x3FDB];
	_ =	sdelay $0x1  }
0x99: {  	s4 =	simm.s32 $_scs_section_size  }
0x9a: {  	s5 =	simm.s32 $_size__tile_overlayer_lowered;
	s6 =	simm.s32 $_tile_overlayer_lowered  }
0x9b: {  	s22 =	simm.s32 $0x1BFF;
	s21 =	sshll.u32 s6, $0x1;
	s3 =	sadd.s32 s4, s19  }
0x9c: {  	s7 =	simm.s32 $0x0;
	s20 =	sshll.u32 s5, $0x1;
	s5 =	sadd.s32 s21, s3  }
0x9d: {  	[timem:s7], [sflag:s22] =	dma.local [hbm:s5], s20  }
0x9e: {  	_ =	swait.ge [sflag:s22], s20  }
0x9f: {  	s4 =	ssub.s32 $0x0, s20;
	[sflag:s22] =	ssyncset.done $0x0  }
0xa0: {  	[sflag:s22] =	ssyncadd.s32 s4;
	_ =	sdelay $0x1  }
0xa1: {  	s23 =	simm.s32 $0x1B8B  }
0xa2: {  	_ =	swait.ge [sflag:s23], $0x1  }
0xa3: {  	[sflag:s23] =	ssyncset.done $0x0  }
0xa4: {  	s25 =	simm.s32 $0x1B8E;
	s24 =	sld [smem:$0x3FFE];
	[sflag:s23] =	ssyncadd.s32 $0xFFFFFFFF  }
0xa5: {  	s26 =	simm.s32 $execute0_lowered;
	[smem:$0x3FD2] =	sst s25  }
0xa6: {  	s5 =	sshll.u32 s26, $0x1;
	_ =	strace $0x80000046;
	[dreg:$0x1] =	wrdreg $0xFFFFFFFF  }
0xa7: {  	s28 =	simm.s32 $_size_execute0_lowered;
	s3 =	sadd.s32 s3, s5;
	[dreg:$0x0] =	wrdreg $0x0  }
0xa8: {  	s5 =	sshll.u32 s28, $0x1;
	[dreg:$0x2] =	wrdreg s3  }
0xa9: {  	[dreg:$0x3] =	wrdreg s5  }
0xaa: {  	[dreg:$0x4] =	wrdreg $0xC0  }
0xab: {  	_ =	task [dreg:s7], $0x5FFFF  }
0xac: {  	[dreg:$0x1] =	wrdreg $0xFFFFFFFF  }
0xad: {  	[dreg:$0x0] =	wrdreg $0x60  }
0xae: {  	[dreg:$0x2] =	wrdreg s2  }
0xaf: {  	[dreg:$0x3] =	wrdreg s24  }
0xb0: {  	[dreg:$0x4] =	wrdreg $0x9  }
0xb1: {  	_ =	task.clear_ibuf [dreg:s7], $0x5FFFF;
	_ =	strace $0x90000046  }
0xb2: {  	s29 =	simm.s32 $0x9;
	_ =	strace $0x80000048  }
0xb3: {  	_ =	swait.ge [sflag:s29], $0x1  }
0xb4: {  	[sflag:s29] =	ssyncadd.s32 $0xFFFFFFFF  }
0xb5: {  	_ =	strace $0x90000048  }
0xb6: {  	_ =	sfence  }
0xb7: {  	s30 =	sld [smem:$0x0];
	_ =	sdelay $0x2  }
0xb8: {  	s31 =	sshll.u32 s1, $0xD;
	s1 =	sshrl.u32 s1, $0x2  }
0xb9: {  	s3 =	sand.u32 $0x4000, s31;
	s1 =	sadd.s32 s1, s30  }
0xba: {  	s0 =	sor.u32 s3, s0;
	s1 =	sshll.u32 s1, $0x11  }
0xbb: {  	s0 =	sor.u32 s1, s0  }
0xbc: {  	s0 =	sadd.s32 $0x8F2B, s0  }
0xbd: {  	[sflag:s0] =	ssyncadd.remote.s32 $0x1  }
0xbe: {  	_ =	sfence.sel $0xFFFF  }
0xbf: {  	[dreg:$0x0] =	wrdreg $0xFFFFFFFF;
	(pc) =	sbr.abs _section_cstart, $3  }
0xc0: {  	[dreg:$0x1] =	wrdreg $0xFFFFFFFF  }
0xc1: {  	_ =	task.clear_ibuf [dreg:s7], $0x2FFFF;
	_ =	strace $0x9FFFFFFF  }
0xc2: {  	(tm) =	ssettm $0x7FFFFFFF  }
0xc3: {  	_ =	shalt  }
tec
execute0_lowered:
.L_overlay_start_1:
0x0: {  	(tag) =	ssettag $0x1  }
0x1: {  	s1 =	stileid.u32  }
0x2: {  	p0 =	sgt.u32 s1, $0xB  }
.Ltmp0:
0x3: {  	_ = 	snop;
	(pc) =	sbr.rel @p0 .LBB2_7-.Ltmp0, $4  }
0x4: {  	s4 =	rddreg [dreg:$0x0]  }
0x5: {  	s3 =	rddreg [dreg:$0x1];
	s2 =	simm.s32 $0x0  }
0x6: {  	[smem:$0x7FF] =	sst s2  }
0x7: {  	s0 =	rddreg [dreg:$0x2];
	_ =	strace $0x80000047  }
0x8: {  	s5 =	srdreg.scid;
	s6 =	sshll.u32 s1, $0x8  }
0x9: {  	s7 =	sshrl.u32 s1, $0x2;
	s9 =	simm.s32 $0x800;
	s10 =	simm.s32 $0x0  }
0xa: {  	s11 =	simm.s32 $0x0;
	s5 =	sand.u32 $0x1, s5;
	s6 =	sand.u32 $0x300, s6  }
0xb: {  	s30 =	sshll.u32 s7, $0xA;
	s8 =	sshll.u32 s5, $0x7;
	s5 =	ssub.s32 $0x2, s5  }
0xc: {  	s7 =	sshll.u32 s7, $0xE;
	s6 =	sor.u32 s8, s6;
	s31 =	sshrl.u32 s5, $0x1  }
0xd: {  	s8 =	sor.u32 s30, s6;
	s6 =	sor.u32 s7, s6;
	s5 =	ssub.s32 s5, s31  }
0xe: {  	s7 =	simm.s32 $0x400;
	s8 =	sshrl.u32 s8, $0x3;
	s6 =	sshrl.u32 s6, $0x3  }
0xf: {  	s5 =	smax.u32 s5, $0x1;
	s3 =	sadd.s32 s8, s3;
	s4 =	sadd.s32 s4, s6  }
0x10: {  	v0 =	vlaneseq.u32;
	s6 =	simm.s32 $0x80;
	s8 =	simm.s32 $0x1;
	s3 =	sadd.s32 $0x2200, s3  }
.LBB2_2:
0x11: {  	[tilespmem:s11], [sflag:$0x1] =	stream.strided.gather [hbm4b:s4+s6], $0x800, s7, s6, $0x38;
	[tilespmem:$0x980] =	vst v63  }
0x12: {  	_ =	swait.ge [sflag:s8], $0x800  }
0x13: {  	[sflag:s8] =	ssyncset.done $0x0  }
0x14: {  	v1 =	vimm.f32 $3.000000010e+38;
	v4 =	vimm.s32 $0xFFFFFFFF;
	s12 =	simm.s32 $0x0;
	[sflag:s8] =	ssyncadd.s32 $0xFFFFF800  }
.LBB2_3:
0x15: {  	v6 =	vld [tilespmem:s11+$0x0];
	_ =	sdelay $0x3  }
0x16: {  	v5 =	vimm.f32 $-1.000000020e+30;
	v2 =	vor.u32 s11, v0  }
0x17: {  	v3 =	vimm.s32 $0x0;
	s13 =	simm.s32 $0x10;
	s14 =	simm.s32 $0x10;
	vm1 =	vgt.s32 v2, v4;
	vm0 =	veq.f32 v6, v1  }
.LBB2_4:
0x18: {  	v7 =	vld [tilespmem:s14+$0x0];
	p0 =	sne.s32 s13, $0x7F0;
	vm2 =	vlt.f32 v6, v1;
	vm0 =	vmand vm1, vm0;
	s15 =	smov.u32 s13;
	s13 =	sadd.s32 $0x10, s13  }
.Ltmp1:
0x19: {  	vm0 =	vmor vm2, vm0;
	(pc) =	sbr.rel @p0 .LBB2_4-.Ltmp1, $4  }
0x1a: {  	v6 =	vnsel vm0, $0xF149F2CA, v6  }
0x1b: {  	vm0 =	vgt.f32 v6, v5  }
0x1c: {  	v5 =	vsel vm0, v6, v5;
	v3 =	vsel vm0, v2, v3;
	v2 =	vor.u32 s15, v0  }
0x1d: {  	s14 =	sadd.s32 $0x10, s14;
	vm0 =	veq.f32 v7, v1;
	vm1 =	vgt.s32 v2, v4;
	v6 =	vmov v7  }
0x1e: {  	vm2 =	vlt.f32 v6, v1;
	vm0 =	vmand vm1, vm0  }
0x1f: {  	vm0 =	vmor vm2, vm0  }
0x20: {  	v1 =	vnsel vm0, $0xF149F2CA, v6  }
0x21: {  	vm0 =	vgt.f32 v1, v5  }
0x22: {  	v4 =	vsel vm0, v1, v5  }
0x23: {  	[tilespmem:$0x880] =	vst v4  }
0x24: {  	[tilespmem:$0x890] =	vst v4  }
0x25: {  	v1 =	vld [tilespmem:$0x888];
	_ =	sdelay $0x4  }
0x26: {  	v1 =	vmax.f32 v4, v1  }
0x27: {  	[tilespmem:$0x880] =	vst v1  }
0x28: {  	[tilespmem:$0x890] =	vst v1  }
0x29: {  	v5 =	vld [tilespmem:$0x884];
	_ =	sdelay $0x4  }
0x2a: {  	v1 =	vmax.f32 v1, v5  }
0x2b: {  	[tilespmem:$0x880] =	vst v1  }
0x2c: {  	[tilespmem:$0x890] =	vst v1  }
0x2d: {  	v5 =	vld [tilespmem:$0x882];
	_ =	sdelay $0x4  }
0x2e: {  	v1 =	vmax.f32 v1, v5  }
0x2f: {  	[tilespmem:$0x880] =	vst v1  }
0x30: {  	[tilespmem:$0x890] =	vst v1  }
0x31: {  	v5 =	vld [tilespmem:$0x881];
	_ =	sdelay $0x4  }
0x32: {  	v1 =	vmax.f32 v1, v5  }
0x33: {  	v2 =	vsel vm0, v2, v3;
	vm14 =	veq.f32 v4, v1  }
0x34: {  	v2 =	vnsel vm14, $0x1000, v2  }
0x35: {  	[tilespmem:$0x900] =	vst v2  }
0x36: {  	[tilespmem:$0x910] =	vst v2  }
0x37: {  	v3 =	vld [tilespmem:$0x908];
	_ =	sdelay $0x4  }
0x38: {  	vm0 =	vlt.s32 v2, v3  }
0x39: {  	v2 =	vsel vm0, v2, v3  }
0x3a: {  	[tilespmem:$0x900] =	vst v2  }
0x3b: {  	[tilespmem:$0x910] =	vst v2  }
0x3c: {  	v3 =	vld [tilespmem:$0x904];
	_ =	sdelay $0x4  }
0x3d: {  	vm0 =	vlt.s32 v2, v3  }
0x3e: {  	v2 =	vsel vm0, v2, v3  }
0x3f: {  	[tilespmem:$0x900] =	vst v2  }
0x40: {  	[tilespmem:$0x910] =	vst v2  }
0x41: {  	v3 =	vld [tilespmem:$0x902];
	_ =	sdelay $0x4  }
0x42: {  	vm0 =	vlt.s32 v2, v3  }
0x43: {  	v2 =	vsel vm0, v2, v3  }
0x44: {  	[tilespmem:$0x900] =	vst v2  }
0x45: {  	[tilespmem:$0x910] =	vst v2  }
0x46: {  	v3 =	vld [tilespmem:$0x901]  }
0x47: {  	s13 =	sand.u32 $0x30, s12  }
0x48: {  	s14 =	sand.u32 $0xF, s12;
	s12 =	sadd.s32 $0x1, s12;
	v5 =	vld [tilespmem:s13+$0x800]  }
0x49: {  	p0 =	sne.s32 s12, $0x28  }
.Ltmp2:
0x4a: {  	_ = 	snop;
	(pc) =	sbr.rel @p0 .LBB2_3-.Ltmp2, $4  }
0x4b: {  	v6 =	vmov s14;
	vm0 =	vlt.s32 v2, v3  }
0x4c: {  	vm15 =	veq.s32 v6, v0;
	v4 =	vsel vm0, v2, v3  }
0x4d: {  	v2 =	vsel vm15, v4, v5  }
0x4e: {  	[tilespmem:s13+$0x800] =	vst v2  }
0x4f: {  	s10 =	sadd.s32 $0x1, s10  }
0x50: {  	p0 =	sne.s32 s10, s5  }
.Ltmp3:
0x51: {  	_ = 	snop;
	(pc) =	sbr.rel @p0 .LBB2_2-.Ltmp3, $4  }
0x52: {  	[hbm4b:s3+s2] =	stream.linear.scatter [tilespmem:s9], [sflag:$0x1], $0x80, $0x38;
	[tilespmem:$0x980] =	vst v63  }
0x53: {  	_ =	swait.ge [sflag:s8], $0x80  }
0x54: {  	[sflag:s8] =	ssyncset.done $0x0  }
0x55: {  	[sflag:s8] =	ssyncadd.s32 $0xFFFFFF80  }
.LBB2_7:
0x56: {  	_ =	sfence.sel $0x180000  }
0x57: {  	[bflag:$0x0] =	sbarrier.arrive $0xFFFF  }
0x58: {  	p0 =	sne.s32 s1, $0x0;
	_ =	strace $0x90000047  }
0x59: {  	s0 =	sadd.s32 @!p0 $0x100000, s0;
	[bflag:$0x2] =	sbarrier.arrive $0xFFFF  }
0x5a: {  	[sflag:s0] =	ssyncadd.tile.s32 @!p0 $0x1;
	_ =	shalt  }
.Lfunc_end2:
_tile_overlayer_lowered:
.L_overlay_start_2:
0x5b: {  	(tag) =	ssettag $0x2  }
0x5c: {  	s0 =	rddreg [dreg:$0x0];
	s2 =	stileid.u32  }
0x5d: {  	s1 =	rddreg [dreg:$0x1];
	p0 =	sne.s32 s2, $0x0  }
0x5e: {  	s3 =	rddreg [dreg:$0x2];
	[bflag:$0x3] =	sbarrier.arrive $0xFFFF;
	s2 =	simm.s32 @!p0 $0x1C01  }
0x5f: {  	[timem:s3], [sflag:s2] =	dma.local @!p0 [hbm:s0], s1  }
0x60: {  	s0 =	simm.s32 @!p0 $0x1  }
0x61: {  	_ =	swait.ge @!p0 [sflag:s0], s1  }
0x62: {  	s1 =	ssub.s32 @!p0 $0x0, s1;
	[sflag:s0] =	ssyncset.done @!p0 $0x0  }
0x63: {  	[sflag:s0] =	ssyncadd.s32 @!p0 s1  }
0x64: {  	[bflag:$0x3] =	sbarrier.arrive $0xFFFF  }
0x65: {  	_ =	shalt  }

</sc_bundles>
